<compile_context>
chip_gen: v7x
topology: tpu7x:2x2x1
jax: 0.10.2.dev20260603
libtpu: 0.0.44.dev20260713+nightly
codegen_flags: <defaults>
</compile_context>

<pallas_src>
import functools

import jax
import jax.numpy as jnp
import numpy as np
from jax import lax
from jax.experimental import pallas as pl
from jax.experimental.pallas import tpu as pltpu
from jax.experimental.pallas import tpu_sc as plsc

B, G = 4096, 20
FEA_N = 13
FEA_C = 26
V = 100000
D = 16
R = B * G
RT = R * FEA_C
CH = 128
NCHUNK = RT // CH
NW = 32
PWC = NCHUNK // NW
SUP = 8
NSUP = PWC // SUP

BLK = 512


def _sc_gather(idx2d, e2_tab, e1_tab):
    mesh = plsc.VectorSubcoreMesh(core_axis_name="c", subcore_axis_name="s")

    @functools.partial(
        pl.kernel,
        mesh=mesh,
        out_type=[
            jax.ShapeDtypeStruct((NCHUNK, CH, D), jnp.float32),
            jax.ShapeDtypeStruct((NCHUNK, CH), jnp.float32),
        ],
        scratch_types=[
            pltpu.VMEM((SUP, CH), jnp.int32),
            pltpu.VMEM((SUP, CH, D), jnp.float32),
            pltpu.VMEM((SUP, CH), jnp.float32),
            pltpu.SemaphoreType.DMA,
            pltpu.SemaphoreType.DMA,
        ],
        compiler_params=pltpu.CompilerParams(use_tc_tiling_on_sc=False),
    )
    def k(idx_hbm, e2_hbm, e1_hbm, oute2, oute1, idx_v, e2_v, e1_v, sem2, sem1):
        wid = lax.axis_index("s") * 2 + lax.axis_index("c")
        base = wid * PWC

        def body(s, carry):
            row0 = base + s * SUP
            pltpu.sync_copy(idx_hbm.at[pl.ds(row0, SUP)], idx_v)
            cps = []
            for j in range(SUP):
                c2 = pltpu.async_copy(e2_hbm.at[idx_v.at[j]], e2_v.at[j], sem2)
                c1 = pltpu.async_copy(e1_hbm.at[idx_v.at[j]], e1_v.at[j], sem1)
                cps.append((c2, c1))
            for c2, c1 in cps:
                c2.wait()
                c1.wait()
            pltpu.sync_copy(e2_v, oute2.at[pl.ds(row0, SUP)])
            pltpu.sync_copy(e1_v, oute1.at[pl.ds(row0, SUP)])
            return carry

        lax.fori_loop(0, NSUP, body, 0)

    return k(idx2d, e2_tab, e1_tab)


def _tc_body(e2_ref, e1_ref, nf_ref, S_ref, W1a_ref, W1b_ref, Wd_ref,
             W2_ref, WoD_ref, wo12_ref, b1_ref, b2_ref, bo_ref, bd_ref,
             out_ref):
    f32 = jnp.float32
    e2 = e2_ref[...]
    nf = nf_ref[...]
    fm1 = (jnp.sum(e1_ref[...], axis=1, keepdims=True)
           + jnp.dot(nf, Wd_ref[...], preferred_element_type=f32)
           + bd_ref[0, 0])
    S = S_ref[...]
    se = jnp.dot(e2, S, preferred_element_type=f32)
    ssq = jnp.dot(e2 * e2, S, preferred_element_type=f32)
    fm2 = 0.5 * jnp.sum(se * se - ssq, axis=1, keepdims=True)
    h = jnp.dot(e2, W1a_ref[...], preferred_element_type=f32)
    h += jnp.dot(nf, W1b_ref[...], preferred_element_type=f32)
    h = jnp.maximum(h + b1_ref[...], 0.0)
    h2 = jnp.dot(h, W2_ref[...], preferred_element_type=f32)
    h2 = jnp.maximum(h2 + b2_ref[...], 0.0)
    wo12 = wo12_ref[...]
    out = jnp.dot(h2, WoD_ref[...], preferred_element_type=f32)
    out += fm1 * wo12[0:1, :] + fm2 * wo12[1:2, :] + bo_ref[...]
    out_ref[...] = jnp.maximum(out, 0.0)


def _tc_fused(e2f, e1m, nf, S, W1a, W1b, Wd, W2, WoD, wo12, b1, b2, bo, bd):
    nblk = R // BLK
    row = lambda i: (i, 0)
    full = lambda i: (0, 0)
    return pl.pallas_call(
        _tc_body,
        grid=(nblk,),
        in_specs=[
            pl.BlockSpec((BLK, FEA_C * D), row),
            pl.BlockSpec((BLK, FEA_C), row),
            pl.BlockSpec((BLK, FEA_N), row),
            pl.BlockSpec((FEA_C * D, D), full),
            pl.BlockSpec((FEA_C * D, 256), full),
            pl.BlockSpec((FEA_N, 256), full),
            pl.BlockSpec((FEA_N, 1), full),
            pl.BlockSpec((256, 128), full),
            pl.BlockSpec((128, 128), full),
            pl.BlockSpec((2, 128), full),
            pl.BlockSpec((1, 256), full),
            pl.BlockSpec((1, 128), full),
            pl.BlockSpec((1, 128), full),
            pl.BlockSpec((1, 1), full),
        ],
        out_specs=pl.BlockSpec((BLK, 128), row),
        out_shape=jax.ShapeDtypeStruct((R, 128), jnp.float32),
    )(e2f, e1m, nf, S, W1a, W1b, Wd, W2, WoD, wo12, b1, b2, bo, bd)


def kernel(n_features, c_features, emb1, emb2, W_dense, b_dense,
           W1, b1, W2, b2, Wo, bo):
    cf = c_features.astype(jnp.int32)
    offs = (jnp.arange(FEA_C, dtype=jnp.int32) * V)
    idx2d = (cf + offs).reshape(NCHUNK, CH)
    e2_tab = emb2.reshape(FEA_C * V, D)
    e1_tab = emb1.reshape(FEA_C * V)

    ge2, ge1 = _sc_gather(idx2d, e2_tab, e1_tab)
    e2f = ge2.reshape(R, FEA_C * D)
    e1m = ge1.reshape(R, FEA_C)
    nf = n_features.reshape(R, FEA_N)

    S = jnp.asarray(np.tile(np.eye(D, dtype=np.float32), (FEA_C, 1)))
    W1a = W1[:FEA_C * D]
    W1b = W1[FEA_C * D:]
    wo12 = Wo[:2]
    WoD = Wo[2:]

    out = _tc_fused(e2f, e1m, nf, S, W1a, W1b, Wd=W_dense, W2=W2, WoD=WoD,
                    wo12=wo12, b1=b1.reshape(1, 256), b2=b2.reshape(1, 128),
                    bo=bo.reshape(1, 128), bd=b_dense.reshape(1, 1))
    return out.reshape(B, G, 128)

# --- scband reference (transcript-rebuilt; emitter-appended) ---
"""Pipeline reference for scband-deep-fm-36498632081512 (READ-ONLY COPY).

The authoritative reference and input builder live on the scoring server;
editing this copy changes nothing except your own understanding.
"""

import jax, jax.numpy as jnp
import numpy as np

B, G = 4096, 20
FEA_N = 13
FEA_C = 26
V = 100000
D = 16
DIN = FEA_C * D + FEA_N  # 429


def setup_inputs(seed: int = 0) -> dict:
    key = jax.random.key(seed)
    ks = jax.random.split(key, 12)
    n_features = jax.random.normal(ks[0], (B, G, FEA_N), dtype=jnp.float32)
    c_features = jax.random.randint(ks[1], (B, G, FEA_C), 0, V, dtype=jnp.int32).astype(jnp.int64)
    # stacked per-field embedding tables (all fields share vocab size V)
    emb1 = jax.random.normal(ks[2], (FEA_C, V, 1), dtype=jnp.float32) * 0.01
    emb2 = jax.random.normal(ks[3], (FEA_C, V, D), dtype=jnp.float32) * 0.01
    W_dense = jax.random.normal(ks[4], (FEA_N, 1), dtype=jnp.float32) * (1.0 / np.sqrt(FEA_N))
    b_dense = jnp.zeros((1,), dtype=jnp.float32)
    W1 = jax.random.normal(ks[5], (DIN, 256), dtype=jnp.float32) * (1.0 / np.sqrt(DIN))
    b1 = jnp.zeros((256,), dtype=jnp.float32)
    W2 = jax.random.normal(ks[6], (256, 128), dtype=jnp.float32) * (1.0 / np.sqrt(256))
    b2 = jnp.zeros((128,), dtype=jnp.float32)
    Wo = jax.random.normal(ks[7], (130, 128), dtype=jnp.float32) * (1.0 / np.sqrt(130))
    bo = jnp.zeros((128,), dtype=jnp.float32)
    return {"n_features": n_features, "c_features": c_features, "emb1": emb1,
            "emb2": emb2, "W_dense": W_dense, "b_dense": b_dense,
            "W1": W1, "b1": b1, "W2": W2, "b2": b2, "Wo": Wo, "bo": bo}


def reference(n_features, c_features, emb1, emb2, W_dense, b_dense, W1, b1, W2, b2, Wo, bo):
    batch_size, graph_size = n_features.shape[0], n_features.shape[1]
    field_ids = jnp.arange(FEA_C)  # [F]
    # 1st order sparse: gather per-field 1-dim embeddings -> [B, G, F, 1]
    e1 = emb1[field_ids[None, None, :], c_features]  # [B, G, F, 1]
    fm_1st_sparse = jnp.sum(e1[..., 0], axis=2, keepdims=True)  # [B, G, 1]
    fm_1st_dense = n_features @ W_dense + b_dense  # [B, G, 1]
    fm_1st_part = fm_1st_sparse + fm_1st_dense
    # 2nd order: gather per-field D-dim embeddings -> [B, G, F, D]
    e2 = emb2[field_ids[None, None, :], c_features]  # [B, G, F, D]
    sum_embed = jnp.sum(e2, axis=2)  # [B, G, D]
    square_sum_embed = sum_embed * sum_embed
    square_embed = e2 * e2
    sum_square_embed = jnp.sum(square_embed, axis=2)
    sub = (square_sum_embed - sum_square_embed) * 0.5
    fm_2nd_part = jnp.sum(sub, axis=2, keepdims=True)  # [B, G, 1]
    # DNN part
    sparse_dense_output = e2.reshape(batch_size, graph_size, FEA_C * D)
    dnn_in = jnp.concatenate([sparse_dense_output, n_features], axis=2)  # [B, G, 429]
    h = jax.nn.relu(dnn_in @ W1 + b1)
    dnn_output = jax.nn.relu(h @ W2 + b2)  # [B, G, 128]
    point_embeddings = jnp.concatenate([fm_1st_part, fm_2nd_part, dnn_output], axis=-1)  # [B, G, 130]
    final_embeddings = jax.nn.relu(point_embeddings @ Wo + bo)  # [B, G, 128]
    return final_embeddings

if __name__ == "__main__":
    import jax
    _d = setup_inputs()
    print(jax.jit(kernel)(*tuple(_d.values())))

</pallas_src>

<mosaic_0001>
#map = affine_map<(d0, d1) -> (0, 0)>
#map1 = affine_map<(d0, d1) -> (0)>
#map2 = affine_map<(d0, d1) -> (0, 0, 0)>
module attributes {stable_mosaic.version = 14 : i64} {
  func.func @k(%arg0: i32, %arg1: i32, %arg2: memref<16640x128xi32, #tpu.memory_space<hbm>>, %arg3: memref<2600000x16xf32, #tpu.memory_space<hbm>>, %arg4: memref<2600000xf32, #tpu.memory_space<hbm>>, %arg5: memref<16640x128x16xf32, #tpu.memory_space<hbm>>, %arg6: memref<16640x128xf32, #tpu.memory_space<hbm>>, %arg7: memref<8x128xi32, #tpu.memory_space<vmem>>, %arg8: memref<8x128x16xf32, #tpu.memory_space<vmem>>, %arg9: memref<8x128xf32, #tpu.memory_space<vmem>>, %arg10: memref<!tpu.dma_semaphore, #tpu.memory_space<semaphore_mem>>, %arg11: memref<!tpu.dma_semaphore, #tpu.memory_space<semaphore_mem>>) attributes {dimension_semantics = [#tpu.dimension_semantics<core_parallel>, #tpu.dimension_semantics<subcore_parallel>], iteration_bounds = array<i64: 2, 16>, scalar_prefetch = 0 : i64, scratch_operands = 5 : i64, tpu.core_type = #tpu.core_type<sc_vector_subcore>, window_params = [{transform_indices = #map}, {transform_indices = #map}, {transform_indices = #map1}, {transform_indices = #map2}, {transform_indices = #map}]} {
    %mul3A = arith.constant 2 : i32
    %mul3A_0 = arith.muli %arg1, %mul3A : i32
    %add3A = arith.addi %mul3A_0, %arg0 : i32
    %mul3A_1 = arith.constant 520 : i32
    %mul3A_2 = arith.muli %add3A, %mul3A_1 : i32
    %scan3A = arith.constant 0 : i32
    %scan3A_3 = arith.constant 0 : i32
    %scan3A_4 = arith.constant 65 : i32
    %scan3A_5 = arith.addi %scan3A_3, %scan3A_4 : i32
    %scan3A_6 = arith.constant 1 : i32
    scf.for %scan3A_8 = %scan3A_3 to %scan3A_5 step %scan3A_6  : i32 {
      %mul3A_9 = arith.constant 8 : i32
      %mul3A_10 = arith.muli %scan3A_8, %mul3A_9 : i32
      %add3A_11 = arith.addi %mul3A_2, %mul3A_10 : i32
      "tpu.region"() ({
        %run_scoped3A = tpu.sem_alloc : memref<!tpu.dma_semaphore, #tpu.memory_space<semaphore_mem>>
        %dma_start3A_362 = arith.constant 0 : i32
        %dma_start3A_363 = tpu.memref_slice %arg2[%add3A_11, %dma_start3A_362] : memref<16640x128xi32, #tpu.memory_space<hbm>> -> memref<8x128xi32, #tpu.memory_space<hbm>>
        %dma_start3A_364 = arith.constant 0 : i32
        %dma_start3A_365 = tpu.memref_slice %arg2[%add3A_11, %dma_start3A_364] : memref<16640x128xi32, #tpu.memory_space<hbm>> -> memref<8x128xi32, #tpu.memory_space<hbm>>
        tpu.enqueue_dma source(%dma_start3A_365 : memref<8x128xi32, #tpu.memory_space<hbm>>) target(%arg7 : memref<8x128xi32, #tpu.memory_space<vmem>>) target_semaphore(%run_scoped3A : memref<!tpu.dma_semaphore, #tpu.memory_space<semaphore_mem>>)
        %dma_wait3A_366 = arith.constant 0 : i32
        %dma_wait3A_367 = tpu.memref_slice %arg2[%add3A_11, %dma_wait3A_366] : memref<16640x128xi32, #tpu.memory_space<hbm>> -> memref<8x128xi32, #tpu.memory_space<hbm>>
        %dma_wait3A_368 = arith.constant 0 : i32
        %dma_wait3A_369 = tpu.memref_slice %arg2[%add3A_11, %dma_wait3A_368] : memref<16640x128xi32, #tpu.memory_space<hbm>> -> memref<8x128xi32, #tpu.memory_space<hbm>>
        tpu.wait_dma2 semaphore(%run_scoped3A : memref<!tpu.dma_semaphore, #tpu.memory_space<semaphore_mem>>) src(%dma_wait3A_369 : memref<8x128xi32, #tpu.memory_space<hbm>>) dst(%arg7 : memref<8x128xi32, #tpu.memory_space<vmem>>)
        tpu.yield
      }) : () -> ()
      %dma_start3A = arith.constant 0 : i32
      %dma_start3A_12 = arith.constant 0 : i32
      %dma_start3A_13 = arith.constant 0 : i32
      %dma_start3A_14 = arith.constant 0 : i32
      %dma_start3A_15 = tpu.memref_slice %arg8[%dma_start3A_12, %dma_start3A_13, %dma_start3A_14] : memref<8x128x16xf32, #tpu.memory_space<vmem>> -> memref<1x128x16xf32, #tpu.memory_space<vmem>>
      %dma_start3A_16 = tpu.memref_squeeze %dma_start3A_15 : memref<1x128x16xf32, #tpu.memory_space<vmem>> -> memref<128x16xf32, #tpu.memory_space<vmem>>
      %dma_start3A_17 = arith.constant 0 : i32
      %dma_start3A_18 = tpu.memref_slice %arg7[%dma_start3A, %dma_start3A_17] : memref<8x128xi32, #tpu.memory_space<vmem>> -> memref<1x128xi32, #tpu.memory_space<vmem>>
      %dma_start3A_19 = tpu.memref_squeeze %dma_start3A_18 : memref<1x128xi32, #tpu.memory_space<vmem>> -> memref<128xi32, #tpu.memory_space<vmem>>
      %dma_start3A_20 = arith.constant 0 : i32
      %dma_start3A_21 = arith.constant 0 : i32
      %dma_start3A_22 = tpu.memref_slice %arg3[%dma_start3A_20, %dma_start3A_21] : memref<2600000x16xf32, #tpu.memory_space<hbm>> -> memref<2600000x16xf32, #tpu.memory_space<hbm>>
      tpu.enqueue_indirect_dma source(%dma_start3A_22 : memref<2600000x16xf32, #tpu.memory_space<hbm>>) target(%dma_start3A_16 : memref<128x16xf32, #tpu.memory_space<vmem>>) offsets(%dma_start3A_19 : memref<128xi32, #tpu.memory_space<vmem>>) semaphore(%arg10 : memref<!tpu.dma_semaphore, #tpu.memory_space<semaphore_mem>>)
      %dma_start3A_23 = arith.constant 0 : i32
      %dma_start3A_24 = arith.constant 0 : i32
      %dma_start3A_25 = arith.constant 0 : i32
      %dma_start3A_26 = tpu.memref_slice %arg9[%dma_start3A_24, %dma_start3A_25] : memref<8x128xf32, #tpu.memory_space<vmem>> -> memref<1x128xf32, #tpu.memory_space<vmem>>
      %dma_start3A_27 = tpu.memref_squeeze %dma_start3A_26 : memref<1x128xf32, #tpu.memory_space<vmem>> -> memref<128xf32, #tpu.memory_space<vmem>>
      %dma_start3A_28 = arith.constant 0 : i32
      %dma_start3A_29 = tpu.memref_slice %arg7[%dma_start3A_23, %dma_start3A_28] : memref<8x128xi32, #tpu.memory_space<vmem>> -> memref<1x128xi32, #tpu.memory_space<vmem>>
      %dma_start3A_30 = tpu.memref_squeeze %dma_start3A_29 : memref<1x128xi32, #tpu.memory_space<vmem>> -> memref<128xi32, #tpu.memory_space<vmem>>
      %dma_start3A_31 = arith.constant 0 : i32
      %dma_start3A_32 = tpu.memref_slice %arg4[%dma_start3A_31] : memref<2600000xf32, #tpu.memory_space<hbm>> -> memref<2600000xf32, #tpu.memory_space<hbm>>
      tpu.enqueue_indirect_dma source(%dma_start3A_32 : memref<2600000xf32, #tpu.memory_space<hbm>>) target(%dma_start3A_27 : memref<128xf32, #tpu.memory_space<vmem>>) offsets(%dma_start3A_30 : memref<128xi32, #tpu.memory_space<vmem>>) semaphore(%arg11 : memref<!tpu.dma_semaphore, #tpu.memory_space<semaphore_mem>>)
      %dma_start3A_33 = arith.constant 1 : i32
      %dma_start3A_34 = arith.constant 1 : i32
      %dma_start3A_35 = arith.constant 0 : i32
      %dma_start3A_36 = arith.constant 0 : i32
      %dma_start3A_37 = tpu.memref_slice %arg8[%dma_start3A_34, %dma_start3A_35, %dma_start3A_36] : memref<8x128x16xf32, #tpu.memory_space<vmem>> -> memref<1x128x16xf32, #tpu.memory_space<vmem>>
      %dma_start3A_38 = tpu.memref_squeeze %dma_start3A_37 : memref<1x128x16xf32, #tpu.memory_space<vmem>> -> memref<128x16xf32, #tpu.memory_space<vmem>>
      %dma_start3A_39 = arith.constant 0 : i32
      %dma_start3A_40 = tpu.memref_slice %arg7[%dma_start3A_33, %dma_start3A_39] : memref<8x128xi32, #tpu.memory_space<vmem>> -> memref<1x128xi32, #tpu.memory_space<vmem>>
      %dma_start3A_41 = tpu.memref_squeeze %dma_start3A_40 : memref<1x128xi32, #tpu.memory_space<vmem>> -> memref<128xi32, #tpu.memory_space<vmem>>
      %dma_start3A_42 = arith.constant 0 : i32
      %dma_start3A_43 = arith.constant 0 : i32
      %dma_start3A_44 = tpu.memref_slice %arg3[%dma_start3A_42, %dma_start3A_43] : memref<2600000x16xf32, #tpu.memory_space<hbm>> -> memref<2600000x16xf32, #tpu.memory_space<hbm>>
      tpu.enqueue_indirect_dma source(%dma_start3A_44 : memref<2600000x16xf32, #tpu.memory_space<hbm>>) target(%dma_start3A_38 : memref<128x16xf32, #tpu.memory_space<vmem>>) offsets(%dma_start3A_41 : memref<128xi32, #tpu.memory_space<vmem>>) semaphore(%arg10 : memref<!tpu.dma_semaphore, #tpu.memory_space<semaphore_mem>>)
      %dma_start3A_45 = arith.constant 1 : i32
      %dma_start3A_46 = arith.constant 1 : i32
      %dma_start3A_47 = arith.constant 0 : i32
      %dma_start3A_48 = tpu.memref_slice %arg9[%dma_start3A_46, %dma_start3A_47] : memref<8x128xf32, #tpu.memory_space<vmem>> -> memref<1x128xf32, #tpu.memory_space<vmem>>
      %dma_start3A_49 = tpu.memref_squeeze %dma_start3A_48 : memref<1x128xf32, #tpu.memory_space<vmem>> -> memref<128xf32, #tpu.memory_space<vmem>>
      %dma_start3A_50 = arith.constant 0 : i32
      %dma_start3A_51 = tpu.memref_slice %arg7[%dma_start3A_45, %dma_start3A_50] : memref<8x128xi32, #tpu.memory_space<vmem>> -> memref<1x128xi32, #tpu.memory_space<vmem>>
      %dma_start3A_52 = tpu.memref_squeeze %dma_start3A_51 : memref<1x128xi32, #tpu.memory_space<vmem>> -> memref<128xi32, #tpu.memory_space<vmem>>
      %dma_start3A_53 = arith.constant 0 : i32
      %dma_start3A_54 = tpu.memref_slice %arg4[%dma_start3A_53] : memref<2600000xf32, #tpu.memory_space<hbm>> -> memref<2600000xf32, #tpu.memory_space<hbm>>
      tpu.enqueue_indirect_dma source(%dma_start3A_54 : memref<2600000xf32, #tpu.memory_space<hbm>>) target(%dma_start3A_49 : memref<128xf32, #tpu.memory_space<vmem>>) offsets(%dma_start3A_52 : memref<128xi32, #tpu.memory_space<vmem>>) semaphore(%arg11 : memref<!tpu.dma_semaphore, #tpu.memory_space<semaphore_mem>>)
      %dma_start3A_55 = arith.constant 2 : i32
      %dma_start3A_56 = arith.constant 2 : i32
      %dma_start3A_57 = arith.constant 0 : i32
      %dma_start3A_58 = arith.constant 0 : i32
      %dma_start3A_59 = tpu.memref_slice %arg8[%dma_start3A_56, %dma_start3A_57, %dma_start3A_58] : memref<8x128x16xf32, #tpu.memory_space<vmem>> -> memref<1x128x16xf32, #tpu.memory_space<vmem>>
      %dma_start3A_60 = tpu.memref_squeeze %dma_start3A_59 : memref<1x128x16xf32, #tpu.memory_space<vmem>> -> memref<128x16xf32, #tpu.memory_space<vmem>>
      %dma_start3A_61 = arith.constant 0 : i32
      %dma_start3A_62 = tpu.memref_slice %arg7[%dma_start3A_55, %dma_start3A_61] : memref<8x128xi32, #tpu.memory_space<vmem>> -> memref<1x128xi32, #tpu.memory_space<vmem>>
      %dma_start3A_63 = tpu.memref_squeeze %dma_start3A_62 : memref<1x128xi32, #tpu.memory_space<vmem>> -> memref<128xi32, #tpu.memory_space<vmem>>
      %dma_start3A_64 = arith.constant 0 : i32
      %dma_start3A_65 = arith.constant 0 : i32
      %dma_start3A_66 = tpu.memref_slice %arg3[%dma_start3A_64, %dma_start3A_65] : memref<2600000x16xf32, #tpu.memory_space<hbm>> -> memref<2600000x16xf32, #tpu.memory_space<hbm>>
      tpu.enqueue_indirect_dma source(%dma_start3A_66 : memref<2600000x16xf32, #tpu.memory_space<hbm>>) target(%dma_start3A_60 : memref<128x16xf32, #tpu.memory_space<vmem>>) offsets(%dma_start3A_63 : memref<128xi32, #tpu.memory_space<vmem>>) semaphore(%arg10 : memref<!tpu.dma_semaphore, #tpu.memory_space<semaphore_mem>>)
      %dma_start3A_67 = arith.constant 2 : i32
      %dma_start3A_68 = arith.constant 2 : i32
      %dma_start3A_69 = arith.constant 0 : i32
      %dma_start3A_70 = tpu.memref_slice %arg9[%dma_start3A_68, %dma_start3A_69] : memref<8x128xf32, #tpu.memory_space<vmem>> -> memref<1x128xf32, #tpu.memory_space<vmem>>
      %dma_start3A_71 = tpu.memref_squeeze %dma_start3A_70 : memref<1x128xf32, #tpu.memory_space<vmem>> -> memref<128xf32, #tpu.memory_space<vmem>>
      %dma_start3A_72 = arith.constant 0 : i32
      %dma_start3A_73 = tpu.memref_slice %arg7[%dma_start3A_67, %dma_start3A_72] : memref<8x128xi32, #tpu.memory_space<vmem>> -> memref<1x128xi32, #tpu.memory_space<vmem>>
      %dma_start3A_74 = tpu.memref_squeeze %dma_start3A_73 : memref<1x128xi32, #tpu.memory_space<vmem>> -> memref<128xi32, #tpu.memory_space<vmem>>
      %dma_start3A_75 = arith.constant 0 : i32
      %dma_start3A_76 = tpu.memref_slice %arg4[%dma_start3A_75] : memref<2600000xf32, #tpu.memory_space<hbm>> -> memref<2600000xf32, #tpu.memory_space<hbm>>
      tpu.enqueue_indirect_dma source(%dma_start3A_76 : memref<2600000xf32, #tpu.memory_space<hbm>>) target(%dma_start3A_71 : memref<128xf32, #tpu.memory_space<vmem>>) offsets(%dma_start3A_74 : memref<128xi32, #tpu.memory_space<vmem>>) semaphore(%arg11 : memref<!tpu.dma_semaphore, #tpu.memory_space<semaphore_mem>>)
      %dma_start3A_77 = arith.constant 3 : i32
      %dma_start3A_78 = arith.constant 3 : i32
      %dma_start3A_79 = arith.constant 0 : i32
      %dma_start3A_80 = arith.constant 0 : i32
      %dma_start3A_81 = tpu.memref_slice %arg8[%dma_start3A_78, %dma_start3A_79, %dma_start3A_80] : memref<8x128x16xf32, #tpu.memory_space<vmem>> -> memref<1x128x16xf32, #tpu.memory_space<vmem>>
      %dma_start3A_82 = tpu.memref_squeeze %dma_start3A_81 : memref<1x128x16xf32, #tpu.memory_space<vmem>> -> memref<128x16xf32, #tpu.memory_space<vmem>>
      %dma_start3A_83 = arith.constant 0 : i32
      %dma_start3A_84 = tpu.memref_slice %arg7[%dma_start3A_77, %dma_start3A_83] : memref<8x128xi32, #tpu.memory_space<vmem>> -> memref<1x128xi32, #tpu.memory_space<vmem>>
      %dma_start3A_85 = tpu.memref_squeeze %dma_start3A_84 : memref<1x128xi32, #tpu.memory_space<vmem>> -> memref<128xi32, #tpu.memory_space<vmem>>
      %dma_start3A_86 = arith.constant 0 : i32
      %dma_start3A_87 = arith.constant 0 : i32
      %dma_start3A_88 = tpu.memref_slice %arg3[%dma_start3A_86, %dma_start3A_87] : memref<2600000x16xf32, #tpu.memory_space<hbm>> -> memref<2600000x16xf32, #tpu.memory_space<hbm>>
      tpu.enqueue_indirect_dma source(%dma_start3A_88 : memref<2600000x16xf32, #tpu.memory_space<hbm>>) target(%dma_start3A_82 : memref<128x16xf32, #tpu.memory_space<vmem>>) offsets(%dma_start3A_85 : memref<128xi32, #tpu.memory_space<vmem>>) semaphore(%arg10 : memref<!tpu.dma_semaphore, #tpu.memory_space<semaphore_mem>>)
      %dma_start3A_89 = arith.constant 3 : i32
      %dma_start3A_90 = arith.constant 3 : i32
      %dma_start3A_91 = arith.constant 0 : i32
      %dma_start3A_92 = tpu.memref_slice %arg9[%dma_start3A_90, %dma_start3A_91] : memref<8x128xf32, #tpu.memory_space<vmem>> -> memref<1x128xf32, #tpu.memory_space<vmem>>
      %dma_start3A_93 = tpu.memref_squeeze %dma_start3A_92 : memref<1x128xf32, #tpu.memory_space<vmem>> -> memref<128xf32, #tpu.memory_space<vmem>>
      %dma_start3A_94 = arith.constant 0 : i32
      %dma_start3A_95 = tpu.memref_slice %arg7[%dma_start3A_89, %dma_start3A_94] : memref<8x128xi32, #tpu.memory_space<vmem>> -> memref<1x128xi32, #tpu.memory_space<vmem>>
      %dma_start3A_96 = tpu.memref_squeeze %dma_start3A_95 : memref<1x128xi32, #tpu.memory_space<vmem>> -> memref<128xi32, #tpu.memory_space<vmem>>
      %dma_start3A_97 = arith.constant 0 : i32
      %dma_start3A_98 = tpu.memref_slice %arg4[%dma_start3A_97] : memref<2600000xf32, #tpu.memory_space<hbm>> -> memref<2600000xf32, #tpu.memory_space<hbm>>
      tpu.enqueue_indirect_dma source(%dma_start3A_98 : memref<2600000xf32, #tpu.memory_space<hbm>>) target(%dma_start3A_93 : memref<128xf32, #tpu.memory_space<vmem>>) offsets(%dma_start3A_96 : memref<128xi32, #tpu.memory_space<vmem>>) semaphore(%arg11 : memref<!tpu.dma_semaphore, #tpu.memory_space<semaphore_mem>>)
      %dma_start3A_99 = arith.constant 4 : i32
      %dma_start3A_100 = arith.constant 4 : i32
      %dma_start3A_101 = arith.constant 0 : i32
      %dma_start3A_102 = arith.constant 0 : i32
      %dma_start3A_103 = tpu.memref_slice %arg8[%dma_start3A_100, %dma_start3A_101, %dma_start3A_102] : memref<8x128x16xf32, #tpu.memory_space<vmem>> -> memref<1x128x16xf32, #tpu.memory_space<vmem>>
      %dma_start3A_104 = tpu.memref_squeeze %dma_start3A_103 : memref<1x128x16xf32, #tpu.memory_space<vmem>> -> memref<128x16xf32, #tpu.memory_space<vmem>>
      %dma_start3A_105 = arith.constant 0 : i32
      %dma_start3A_106 = tpu.memref_slice %arg7[%dma_start3A_99, %dma_start3A_105] : memref<8x128xi32, #tpu.memory_space<vmem>> -> memref<1x128xi32, #tpu.memory_space<vmem>>
      %dma_start3A_107 = tpu.memref_squeeze %dma_start3A_106 : memref<1x128xi32, #tpu.memory_space<vmem>> -> memref<128xi32, #tpu.memory_space<vmem>>
      %dma_start3A_108 = arith.constant 0 : i32
      %dma_start3A_109 = arith.constant 0 : i32
      %dma_start3A_110 = tpu.memref_slice %arg3[%dma_start3A_108, %dma_start3A_109] : memref<2600000x16xf32, #tpu.memory_space<hbm>> -> memref<2600000x16xf32, #tpu.memory_space<hbm>>
      tpu.enqueue_indirect_dma source(%dma_start3A_110 : memref<2600000x16xf32, #tpu.memory_space<hbm>>) target(%dma_start3A_104 : memref<128x16xf32, #tpu.memory_space<vmem>>) offsets(%dma_start3A_107 : memref<128xi32, #tpu.memory_space<vmem>>) semaphore(%arg10 : memref<!tpu.dma_semaphore, #tpu.memory_space<semaphore_mem>>)
      %dma_start3A_111 = arith.constant 4 : i32
      %dma_start3A_112 = arith.constant 4 : i32
      %dma_start3A_113 = arith.constant 0 : i32
      %dma_start3A_114 = tpu.memref_slice %arg9[%dma_start3A_112, %dma_start3A_113] : memref<8x128xf32, #tpu.memory_space<vmem>> -> memref<1x128xf32, #tpu.memory_space<vmem>>
      %dma_start3A_115 = tpu.memref_squeeze %dma_start3A_114 : memref<1x128xf32, #tpu.memory_space<vmem>> -> memref<128xf32, #tpu.memory_space<vmem>>
      %dma_start3A_116 = arith.constant 0 : i32
      %dma_start3A_117 = tpu.memref_slice %arg7[%dma_start3A_111, %dma_start3A_116] : memref<8x128xi32, #tpu.memory_space<vmem>> -> memref<1x128xi32, #tpu.memory_space<vmem>>
      %dma_start3A_118 = tpu.memref_squeeze %dma_start3A_117 : memref<1x128xi32, #tpu.memory_space<vmem>> -> memref<128xi32, #tpu.memory_space<vmem>>
      %dma_start3A_119 = arith.constant 0 : i32
      %dma_start3A_120 = tpu.memref_slice %arg4[%dma_start3A_119] : memref<2600000xf32, #tpu.memory_space<hbm>> -> memref<2600000xf32, #tpu.memory_space<hbm>>
      tpu.enqueue_indirect_dma source(%dma_start3A_120 : memref<2600000xf32, #tpu.memory_space<hbm>>) target(%dma_start3A_115 : memref<128xf32, #tpu.memory_space<vmem>>) offsets(%dma_start3A_118 : memref<128xi32, #tpu.memory_space<vmem>>) semaphore(%arg11 : memref<!tpu.dma_semaphore, #tpu.memory_space<semaphore_mem>>)
      %dma_start3A_121 = arith.constant 5 : i32
      %dma_start3A_122 = arith.constant 5 : i32
      %dma_start3A_123 = arith.constant 0 : i32
      %dma_start3A_124 = arith.constant 0 : i32
      %dma_start3A_125 = tpu.memref_slice %arg8[%dma_start3A_122, %dma_start3A_123, %dma_start3A_124] : memref<8x128x16xf32, #tpu.memory_space<vmem>> -> memref<1x128x16xf32, #tpu.memory_space<vmem>>
      %dma_start3A_126 = tpu.memref_squeeze %dma_start3A_125 : memref<1x128x16xf32, #tpu.memory_space<vmem>> -> memref<128x16xf32, #tpu.memory_space<vmem>>
      %dma_start3A_127 = arith.constant 0 : i32
      %dma_start3A_128 = tpu.memref_slice %arg7[%dma_start3A_121, %dma_start3A_127] : memref<8x128xi32, #tpu.memory_space<vmem>> -> memref<1x128xi32, #tpu.memory_space<vmem>>
      %dma_start3A_129 = tpu.memref_squeeze %dma_start3A_128 : memref<1x128xi32, #tpu.memory_space<vmem>> -> memref<128xi32, #tpu.memory_space<vmem>>
      %dma_start3A_130 = arith.constant 0 : i32
      %dma_start3A_131 = arith.constant 0 : i32
      %dma_start3A_132 = tpu.memref_slice %arg3[%dma_start3A_130, %dma_start3A_131] : memref<2600000x16xf32, #tpu.memory_space<hbm>> -> memref<2600000x16xf32, #tpu.memory_space<hbm>>
      tpu.enqueue_indirect_dma source(%dma_start3A_132 : memref<2600000x16xf32, #tpu.memory_space<hbm>>) target(%dma_start3A_126 : memref<128x16xf32, #tpu.memory_space<vmem>>) offsets(%dma_start3A_129 : memref<128xi32, #tpu.memory_space<vmem>>) semaphore(%arg10 : memref<!tpu.dma_semaphore, #tpu.memory_space<semaphore_mem>>)
      %dma_start3A_133 = arith.constant 5 : i32
      %dma_start3A_134 = arith.constant 5 : i32
      %dma_start3A_135 = arith.constant 0 : i32
      %dma_start3A_136 = tpu.memref_slice %arg9[%dma_start3A_134, %dma_start3A_135] : memref<8x128xf32, #tpu.memory_space<vmem>> -> memref<1x128xf32, #tpu.memory_space<vmem>>
      %dma_start3A_137 = tpu.memref_squeeze %dma_start3A_136 : memref<1x128xf32, #tpu.memory_space<vmem>> -> memref<128xf32, #tpu.memory_space<vmem>>
      %dma_start3A_138 = arith.constant 0 : i32
      %dma_start3A_139 = tpu.memref_slice %arg7[%dma_start3A_133, %dma_start3A_138] : memref<8x128xi32, #tpu.memory_space<vmem>> -> memref<1x128xi32, #tpu.memory_space<vmem>>
      %dma_start3A_140 = tpu.memref_squeeze %dma_start3A_139 : memref<1x128xi32, #tpu.memory_space<vmem>> -> memref<128xi32, #tpu.memory_space<vmem>>
      %dma_start3A_141 = arith.constant 0 : i32
      %dma_start3A_142 = tpu.memref_slice %arg4[%dma_start3A_141] : memref<2600000xf32, #tpu.memory_space<hbm>> -> memref<2600000xf32, #tpu.memory_space<hbm>>
      tpu.enqueue_indirect_dma source(%dma_start3A_142 : memref<2600000xf32, #tpu.memory_space<hbm>>) target(%dma_start3A_137 : memref<128xf32, #tpu.memory_space<vmem>>) offsets(%dma_start3A_140 : memref<128xi32, #tpu.memory_space<vmem>>) semaphore(%arg11 : memref<!tpu.dma_semaphore, #tpu.memory_space<semaphore_mem>>)
      %dma_start3A_143 = arith.constant 6 : i32
      %dma_start3A_144 = arith.constant 6 : i32
      %dma_start3A_145 = arith.constant 0 : i32
      %dma_start3A_146 = arith.constant 0 : i32
      %dma_start3A_147 = tpu.memref_slice %arg8[%dma_start3A_144, %dma_start3A_145, %dma_start3A_146] : memref<8x128x16xf32, #tpu.memory_space<vmem>> -> memref<1x128x16xf32, #tpu.memory_space<vmem>>
      %dma_start3A_148 = tpu.memref_squeeze %dma_start3A_147 : memref<1x128x16xf32, #tpu.memory_space<vmem>> -> memref<128x16xf32, #tpu.memory_space<vmem>>
      %dma_start3A_149 = arith.constant 0 : i32
      %dma_start3A_150 = tpu.memref_slice %arg7[%dma_start3A_143, %dma_start3A_149] : memref<8x128xi32, #tpu.memory_space<vmem>> -> memref<1x128xi32, #tpu.memory_space<vmem>>
      %dma_start3A_151 = tpu.memref_squeeze %dma_start3A_150 : memref<1x128xi32, #tpu.memory_space<vmem>> -> memref<128xi32, #tpu.memory_space<vmem>>
      %dma_start3A_152 = arith.constant 0 : i32
      %dma_start3A_153 = arith.constant 0 : i32
      %dma_start3A_154 = tpu.memref_slice %arg3[%dma_start3A_152, %dma_start3A_153] : memref<2600000x16xf32, #tpu.memory_space<hbm>> -> memref<2600000x16xf32, #tpu.memory_space<hbm>>
      tpu.enqueue_indirect_dma source(%dma_start3A_154 : memref<2600000x16xf32, #tpu.memory_space<hbm>>) target(%dma_start3A_148 : memref<128x16xf32, #tpu.memory_space<vmem>>) offsets(%dma_start3A_151 : memref<128xi32, #tpu.memory_space<vmem>>) semaphore(%arg10 : memref<!tpu.dma_semaphore, #tpu.memory_space<semaphore_mem>>)
      %dma_start3A_155 = arith.constant 6 : i32
      %dma_start3A_156 = arith.constant 6 : i32
      %dma_start3A_157 = arith.constant 0 : i32
      %dma_start3A_158 = tpu.memref_slice %arg9[%dma_start3A_156, %dma_start3A_157] : memref<8x128xf32, #tpu.memory_space<vmem>> -> memref<1x128xf32, #tpu.memory_space<vmem>>
      %dma_start3A_159 = tpu.memref_squeeze %dma_start3A_158 : memref<1x128xf32, #tpu.memory_space<vmem>> -> memref<128xf32, #tpu.memory_space<vmem>>
      %dma_start3A_160 = arith.constant 0 : i32
      %dma_start3A_161 = tpu.memref_slice %arg7[%dma_start3A_155, %dma_start3A_160] : memref<8x128xi32, #tpu.memory_space<vmem>> -> memref<1x128xi32, #tpu.memory_space<vmem>>
      %dma_start3A_162 = tpu.memref_squeeze %dma_start3A_161 : memref<1x128xi32, #tpu.memory_space<vmem>> -> memref<128xi32, #tpu.memory_space<vmem>>
      %dma_start3A_163 = arith.constant 0 : i32
      %dma_start3A_164 = tpu.memref_slice %arg4[%dma_start3A_163] : memref<2600000xf32, #tpu.memory_space<hbm>> -> memref<2600000xf32, #tpu.memory_space<hbm>>
      tpu.enqueue_indirect_dma source(%dma_start3A_164 : memref<2600000xf32, #tpu.memory_space<hbm>>) target(%dma_start3A_159 : memref<128xf32, #tpu.memory_space<vmem>>) offsets(%dma_start3A_162 : memref<128xi32, #tpu.memory_space<vmem>>) semaphore(%arg11 : memref<!tpu.dma_semaphore, #tpu.memory_space<semaphore_mem>>)
      %dma_start3A_165 = arith.constant 7 : i32
      %dma_start3A_166 = arith.constant 7 : i32
      %dma_start3A_167 = arith.constant 0 : i32
      %dma_start3A_168 = arith.constant 0 : i32
      %dma_start3A_169 = tpu.memref_slice %arg8[%dma_start3A_166, %dma_start3A_167, %dma_start3A_168] : memref<8x128x16xf32, #tpu.memory_space<vmem>> -> memref<1x128x16xf32, #tpu.memory_space<vmem>>
      %dma_start3A_170 = tpu.memref_squeeze %dma_start3A_169 : memref<1x128x16xf32, #tpu.memory_space<vmem>> -> memref<128x16xf32, #tpu.memory_space<vmem>>
      %dma_start3A_171 = arith.constant 0 : i32
      %dma_start3A_172 = tpu.memref_slice %arg7[%dma_start3A_165, %dma_start3A_171] : memref<8x128xi32, #tpu.memory_space<vmem>> -> memref<1x128xi32, #tpu.memory_space<vmem>>
      %dma_start3A_173 = tpu.memref_squeeze %dma_start3A_172 : memref<1x128xi32, #tpu.memory_space<vmem>> -> memref<128xi32, #tpu.memory_space<vmem>>
      %dma_start3A_174 = arith.constant 0 : i32
      %dma_start3A_175 = arith.constant 0 : i32
      %dma_start3A_176 = tpu.memref_slice %arg3[%dma_start3A_174, %dma_start3A_175] : memref<2600000x16xf32, #tpu.memory_space<hbm>> -> memref<2600000x16xf32, #tpu.memory_space<hbm>>
      tpu.enqueue_indirect_dma source(%dma_start3A_176 : memref<2600000x16xf32, #tpu.memory_space<hbm>>) target(%dma_start3A_170 : memref<128x16xf32, #tpu.memory_space<vmem>>) offsets(%dma_start3A_173 : memref<128xi32, #tpu.memory_space<vmem>>) semaphore(%arg10 : memref<!tpu.dma_semaphore, #tpu.memory_space<semaphore_mem>>)
      %dma_start3A_177 = arith.constant 7 : i32
      %dma_start3A_178 = arith.constant 7 : i32
      %dma_start3A_179 = arith.constant 0 : i32
      %dma_start3A_180 = tpu.memref_slice %arg9[%dma_start3A_178, %dma_start3A_179] : memref<8x128xf32, #tpu.memory_space<vmem>> -> memref<1x128xf32, #tpu.memory_space<vmem>>
      %dma_start3A_181 = tpu.memref_squeeze %dma_start3A_180 : memref<1x128xf32, #tpu.memory_space<vmem>> -> memref<128xf32, #tpu.memory_space<vmem>>
      %dma_start3A_182 = arith.constant 0 : i32
      %dma_start3A_183 = tpu.memref_slice %arg7[%dma_start3A_177, %dma_start3A_182] : memref<8x128xi32, #tpu.memory_space<vmem>> -> memref<1x128xi32, #tpu.memory_space<vmem>>
      %dma_start3A_184 = tpu.memref_squeeze %dma_start3A_183 : memref<1x128xi32, #tpu.memory_space<vmem>> -> memref<128xi32, #tpu.memory_space<vmem>>
      %dma_start3A_185 = arith.constant 0 : i32
      %dma_start3A_186 = tpu.memref_slice %arg4[%dma_start3A_185] : memref<2600000xf32, #tpu.memory_space<hbm>> -> memref<2600000xf32, #tpu.memory_space<hbm>>
      tpu.enqueue_indirect_dma source(%dma_start3A_186 : memref<2600000xf32, #tpu.memory_space<hbm>>) target(%dma_start3A_181 : memref<128xf32, #tpu.memory_space<vmem>>) offsets(%dma_start3A_184 : memref<128xi32, #tpu.memory_space<vmem>>) semaphore(%arg11 : memref<!tpu.dma_semaphore, #tpu.memory_space<semaphore_mem>>)
      %dma_wait3A = arith.constant 0 : i32
      %dma_wait3A_187 = arith.constant 0 : i32
      %dma_wait3A_188 = arith.constant 0 : i32
      %dma_wait3A_189 = arith.constant 0 : i32
      %dma_wait3A_190 = tpu.memref_slice %arg8[%dma_wait3A_187, %dma_wait3A_188, %dma_wait3A_189] : memref<8x128x16xf32, #tpu.memory_space<vmem>> -> memref<1x128x16xf32, #tpu.memory_space<vmem>>
      %dma_wait3A_191 = tpu.memref_squeeze %dma_wait3A_190 : memref<1x128x16xf32, #tpu.memory_space<vmem>> -> memref<128x16xf32, #tpu.memory_space<vmem>>
      %dma_wait3A_192 = arith.constant 0 : i32
      %dma_wait3A_193 = tpu.memref_slice %arg7[%dma_wait3A, %dma_wait3A_192] : memref<8x128xi32, #tpu.memory_space<vmem>> -> memref<1x128xi32, #tpu.memory_space<vmem>>
      %dma_wait3A_194 = tpu.memref_squeeze %dma_wait3A_193 : memref<1x128xi32, #tpu.memory_space<vmem>> -> memref<128xi32, #tpu.memory_space<vmem>>
      %dma_wait3A_195 = arith.constant 0 : i32
      %dma_wait3A_196 = arith.constant 0 : i32
      %dma_wait3A_197 = tpu.memref_slice %arg3[%dma_wait3A_195, %dma_wait3A_196] : memref<2600000x16xf32, #tpu.memory_space<hbm>> -> memref<2600000x16xf32, #tpu.memory_space<hbm>>
      tpu.wait_indirect_dma semaphore(%arg10 : memref<!tpu.dma_semaphore, #tpu.memory_space<semaphore_mem>>) src(%dma_wait3A_197 : memref<2600000x16xf32, #tpu.memory_space<hbm>>) dst(%dma_wait3A_191 : memref<128x16xf32, #tpu.memory_space<vmem>>)
      %dma_wait3A_198 = arith.constant 0 : i32
      %dma_wait3A_199 = arith.constant 0 : i32
      %dma_wait3A_200 = arith.constant 0 : i32
      %dma_wait3A_201 = tpu.memref_slice %arg9[%dma_wait3A_199, %dma_wait3A_200] : memref<8x128xf32, #tpu.memory_space<vmem>> -> memref<1x128xf32, #tpu.memory_space<vmem>>
      %dma_wait3A_202 = tpu.memref_squeeze %dma_wait3A_201 : memref<1x128xf32, #tpu.memory_space<vmem>> -> memref<128xf32, #tpu.memory_space<vmem>>
      %dma_wait3A_203 = arith.constant 0 : i32
      %dma_wait3A_204 = tpu.memref_slice %arg7[%dma_wait3A_198, %dma_wait3A_203] : memref<8x128xi32, #tpu.memory_space<vmem>> -> memref<1x128xi32, #tpu.memory_space<vmem>>
      %dma_wait3A_205 = tpu.memref_squeeze %dma_wait3A_204 : memref<1x128xi32, #tpu.memory_space<vmem>> -> memref<128xi32, #tpu.memory_space<vmem>>
      %dma_wait3A_206 = arith.constant 0 : i32
      %dma_wait3A_207 = tpu.memref_slice %arg4[%dma_wait3A_206] : memref<2600000xf32, #tpu.memory_space<hbm>> -> memref<2600000xf32, #tpu.memory_space<hbm>>
      tpu.wait_indirect_dma semaphore(%arg11 : memref<!tpu.dma_semaphore, #tpu.memory_space<semaphore_mem>>) src(%dma_wait3A_207 : memref<2600000xf32, #tpu.memory_space<hbm>>) dst(%dma_wait3A_202 : memref<128xf32, #tpu.memory_space<vmem>>)
      %dma_wait3A_208 = arith.constant 1 : i32
      %dma_wait3A_209 = arith.constant 1 : i32
      %dma_wait3A_210 = arith.constant 0 : i32
      %dma_wait3A_211 = arith.constant 0 : i32
      %dma_wait3A_212 = tpu.memref_slice %arg8[%dma_wait3A_209, %dma_wait3A_210, %dma_wait3A_211] : memref<8x128x16xf32, #tpu.memory_space<vmem>> -> memref<1x128x16xf32, #tpu.memory_space<vmem>>
      %dma_wait3A_213 = tpu.memref_squeeze %dma_wait3A_212 : memref<1x128x16xf32, #tpu.memory_space<vmem>> -> memref<128x16xf32, #tpu.memory_space<vmem>>
      %dma_wait3A_214 = arith.constant 0 : i32
      %dma_wait3A_215 = tpu.memref_slice %arg7[%dma_wait3A_208, %dma_wait3A_214] : memref<8x128xi32, #tpu.memory_space<vmem>> -> memref<1x128xi32, #tpu.memory_space<vmem>>
      %dma_wait3A_216 = tpu.memref_squeeze %dma_wait3A_215 : memref<1x128xi32, #tpu.memory_space<vmem>> -> memref<128xi32, #tpu.memory_space<vmem>>
      %dma_wait3A_217 = arith.constant 0 : i32
      %dma_wait3A_218 = arith.constant 0 : i32
      %dma_wait3A_219 = tpu.memref_slice %arg3[%dma_wait3A_217, %dma_wait3A_218] : memref<2600000x16xf32, #tpu.memory_space<hbm>> -> memref<2600000x16xf32, #tpu.memory_space<hbm>>
      tpu.wait_indirect_dma semaphore(%arg10 : memref<!tpu.dma_semaphore, #tpu.memory_space<semaphore_mem>>) src(%dma_wait3A_219 : memref<2600000x16xf32, #tpu.memory_space<hbm>>) dst(%dma_wait3A_213 : memref<128x16xf32, #tpu.memory_space<vmem>>)
      %dma_wait3A_220 = arith.constant 1 : i32
      %dma_wait3A_221 = arith.constant 1 : i32
      %dma_wait3A_222 = arith.constant 0 : i32
      %dma_wait3A_223 = tpu.memref_slice %arg9[%dma_wait3A_221, %dma_wait3A_222] : memref<8x128xf32, #tpu.memory_space<vmem>> -> memref<1x128xf32, #tpu.memory_space<vmem>>
      %dma_wait3A_224 = tpu.memref_squeeze %dma_wait3A_223 : memref<1x128xf32, #tpu.memory_space<vmem>> -> memref<128xf32, #tpu.memory_space<vmem>>
      %dma_wait3A_225 = arith.constant 0 : i32
      %dma_wait3A_226 = tpu.memref_slice %arg7[%dma_wait3A_220, %dma_wait3A_225] : memref<8x128xi32, #tpu.memory_space<vmem>> -> memref<1x128xi32, #tpu.memory_space<vmem>>
      %dma_wait3A_227 = tpu.memref_squeeze %dma_wait3A_226 : memref<1x128xi32, #tpu.memory_space<vmem>> -> memref<128xi32, #tpu.memory_space<vmem>>
      %dma_wait3A_228 = arith.constant 0 : i32
      %dma_wait3A_229 = tpu.memref_slice %arg4[%dma_wait3A_228] : memref<2600000xf32, #tpu.memory_space<hbm>> -> memref<2600000xf32, #tpu.memory_space<hbm>>
      tpu.wait_indirect_dma semaphore(%arg11 : memref<!tpu.dma_semaphore, #tpu.memory_space<semaphore_mem>>) src(%dma_wait3A_229 : memref<2600000xf32, #tpu.memory_space<hbm>>) dst(%dma_wait3A_224 : memref<128xf32, #tpu.memory_space<vmem>>)
      %dma_wait3A_230 = arith.constant 2 : i32
      %dma_wait3A_231 = arith.constant 2 : i32
      %dma_wait3A_232 = arith.constant 0 : i32
      %dma_wait3A_233 = arith.constant 0 : i32
      %dma_wait3A_234 = tpu.memref_slice %arg8[%dma_wait3A_231, %dma_wait3A_232, %dma_wait3A_233] : memref<8x128x16xf32, #tpu.memory_space<vmem>> -> memref<1x128x16xf32, #tpu.memory_space<vmem>>
      %dma_wait3A_235 = tpu.memref_squeeze %dma_wait3A_234 : memref<1x128x16xf32, #tpu.memory_space<vmem>> -> memref<128x16xf32, #tpu.memory_space<vmem>>
      %dma_wait3A_236 = arith.constant 0 : i32
      %dma_wait3A_237 = tpu.memref_slice %arg7[%dma_wait3A_230, %dma_wait3A_236] : memref<8x128xi32, #tpu.memory_space<vmem>> -> memref<1x128xi32, #tpu.memory_space<vmem>>
      %dma_wait3A_238 = tpu.memref_squeeze %dma_wait3A_237 : memref<1x128xi32, #tpu.memory_space<vmem>> -> memref<128xi32, #tpu.memory_space<vmem>>
      %dma_wait3A_239 = arith.constant 0 : i32
      %dma_wait3A_240 = arith.constant 0 : i32
      %dma_wait3A_241 = tpu.memref_slice %arg3[%dma_wait3A_239, %dma_wait3A_240] : memref<2600000x16xf32, #tpu.memory_space<hbm>> -> memref<2600000x16xf32, #tpu.memory_space<hbm>>
      tpu.wait_indirect_dma semaphore(%arg10 : memref<!tpu.dma_semaphore, #tpu.memory_space<semaphore_mem>>) src(%dma_wait3A_241 : memref<2600000x16xf32, #tpu.memory_space<hbm>>) dst(%dma_wait3A_235 : memref<128x16xf32, #tpu.memory_space<vmem>>)
      %dma_wait3A_242 = arith.constant 2 : i32
      %dma_wait3A_243 = arith.constant 2 : i32
      %dma_wait3A_244 = arith.constant 0 : i32
      %dma_wait3A_245 = tpu.memref_slice %arg9[%dma_wait3A_243, %dma_wait3A_244] : memref<8x128xf32, #tpu.memory_space<vmem>> -> memref<1x128xf32, #tpu.memory_space<vmem>>
      %dma_wait3A_246 = tpu.memref_squeeze %dma_wait3A_245 : memref<1x128xf32, #tpu.memory_space<vmem>> -> memref<128xf32, #tpu.memory_space<vmem>>
      %dma_wait3A_247 = arith.constant 0 : i32
      %dma_wait3A_248 = tpu.memref_slice %arg7[%dma_wait3A_242, %dma_wait3A_247] : memref<8x128xi32, #tpu.memory_space<vmem>> -> memref<1x128xi32, #tpu.memory_space<vmem>>
      %dma_wait3A_249 = tpu.memref_squeeze %dma_wait3A_248 : memref<1x128xi32, #tpu.memory_space<vmem>> -> memref<128xi32, #tpu.memory_space<vmem>>
      %dma_wait3A_250 = arith.constant 0 : i32
      %dma_wait3A_251 = tpu.memref_slice %arg4[%dma_wait3A_250] : memref<2600000xf32, #tpu.memory_space<hbm>> -> memref<2600000xf32, #tpu.memory_space<hbm>>
      tpu.wait_indirect_dma semaphore(%arg11 : memref<!tpu.dma_semaphore, #tpu.memory_space<semaphore_mem>>) src(%dma_wait3A_251 : memref<2600000xf32, #tpu.memory_space<hbm>>) dst(%dma_wait3A_246 : memref<128xf32, #tpu.memory_space<vmem>>)
      %dma_wait3A_252 = arith.constant 3 : i32
      %dma_wait3A_253 = arith.constant 3 : i32
      %dma_wait3A_254 = arith.constant 0 : i32
      %dma_wait3A_255 = arith.constant 0 : i32
      %dma_wait3A_256 = tpu.memref_slice %arg8[%dma_wait3A_253, %dma_wait3A_254, %dma_wait3A_255] : memref<8x128x16xf32, #tpu.memory_space<vmem>> -> memref<1x128x16xf32, #tpu.memory_space<vmem>>
      %dma_wait3A_257 = tpu.memref_squeeze %dma_wait3A_256 : memref<1x128x16xf32, #tpu.memory_space<vmem>> -> memref<128x16xf32, #tpu.memory_space<vmem>>
      %dma_wait3A_258 = arith.constant 0 : i32
      %dma_wait3A_259 = tpu.memref_slice %arg7[%dma_wait3A_252, %dma_wait3A_258] : memref<8x128xi32, #tpu.memory_space<vmem>> -> memref<1x128xi32, #tpu.memory_space<vmem>>
      %dma_wait3A_260 = tpu.memref_squeeze %dma_wait3A_259 : memref<1x128xi32, #tpu.memory_space<vmem>> -> memref<128xi32, #tpu.memory_space<vmem>>
      %dma_wait3A_261 = arith.constant 0 : i32
      %dma_wait3A_262 = arith.constant 0 : i32
      %dma_wait3A_263 = tpu.memref_slice %arg3[%dma_wait3A_261, %dma_wait3A_262] : memref<2600000x16xf32, #tpu.memory_space<hbm>> -> memref<2600000x16xf32, #tpu.memory_space<hbm>>
      tpu.wait_indirect_dma semaphore(%arg10 : memref<!tpu.dma_semaphore, #tpu.memory_space<semaphore_mem>>) src(%dma_wait3A_263 : memref<2600000x16xf32, #tpu.memory_space<hbm>>) dst(%dma_wait3A_257 : memref<128x16xf32, #tpu.memory_space<vmem>>)
      %dma_wait3A_264 = arith.constant 3 : i32
      %dma_wait3A_265 = arith.constant 3 : i32
      %dma_wait3A_266 = arith.constant 0 : i32
      %dma_wait3A_267 = tpu.memref_slice %arg9[%dma_wait3A_265, %dma_wait3A_266] : memref<8x128xf32, #tpu.memory_space<vmem>> -> memref<1x128xf32, #tpu.memory_space<vmem>>
      %dma_wait3A_268 = tpu.memref_squeeze %dma_wait3A_267 : memref<1x128xf32, #tpu.memory_space<vmem>> -> memref<128xf32, #tpu.memory_space<vmem>>
      %dma_wait3A_269 = arith.constant 0 : i32
      %dma_wait3A_270 = tpu.memref_slice %arg7[%dma_wait3A_264, %dma_wait3A_269] : memref<8x128xi32, #tpu.memory_space<vmem>> -> memref<1x128xi32, #tpu.memory_space<vmem>>
      %dma_wait3A_271 = tpu.memref_squeeze %dma_wait3A_270 : memref<1x128xi32, #tpu.memory_space<vmem>> -> memref<128xi32, #tpu.memory_space<vmem>>
      %dma_wait3A_272 = arith.constant 0 : i32
      %dma_wait3A_273 = tpu.memref_slice %arg4[%dma_wait3A_272] : memref<2600000xf32, #tpu.memory_space<hbm>> -> memref<2600000xf32, #tpu.memory_space<hbm>>
      tpu.wait_indirect_dma semaphore(%arg11 : memref<!tpu.dma_semaphore, #tpu.memory_space<semaphore_mem>>) src(%dma_wait3A_273 : memref<2600000xf32, #tpu.memory_space<hbm>>) dst(%dma_wait3A_268 : memref<128xf32, #tpu.memory_space<vmem>>)
      %dma_wait3A_274 = arith.constant 4 : i32
      %dma_wait3A_275 = arith.constant 4 : i32
      %dma_wait3A_276 = arith.constant 0 : i32
      %dma_wait3A_277 = arith.constant 0 : i32
      %dma_wait3A_278 = tpu.memref_slice %arg8[%dma_wait3A_275, %dma_wait3A_276, %dma_wait3A_277] : memref<8x128x16xf32, #tpu.memory_space<vmem>> -> memref<1x128x16xf32, #tpu.memory_space<vmem>>
      %dma_wait3A_279 = tpu.memref_squeeze %dma_wait3A_278 : memref<1x128x16xf32, #tpu.memory_space<vmem>> -> memref<128x16xf32, #tpu.memory_space<vmem>>
      %dma_wait3A_280 = arith.constant 0 : i32
      %dma_wait3A_281 = tpu.memref_slice %arg7[%dma_wait3A_274, %dma_wait3A_280] : memref<8x128xi32, #tpu.memory_space<vmem>> -> memref<1x128xi32, #tpu.memory_space<vmem>>
      %dma_wait3A_282 = tpu.memref_squeeze %dma_wait3A_281 : memref<1x128xi32, #tpu.memory_space<vmem>> -> memref<128xi32, #tpu.memory_space<vmem>>
      %dma_wait3A_283 = arith.constant 0 : i32
      %dma_wait3A_284 = arith.constant 0 : i32
      %dma_wait3A_285 = tpu.memref_slice %arg3[%dma_wait3A_283, %dma_wait3A_284] : memref<2600000x16xf32, #tpu.memory_space<hbm>> -> memref<2600000x16xf32, #tpu.memory_space<hbm>>
      tpu.wait_indirect_dma semaphore(%arg10 : memref<!tpu.dma_semaphore, #tpu.memory_space<semaphore_mem>>) src(%dma_wait3A_285 : memref<2600000x16xf32, #tpu.memory_space<hbm>>) dst(%dma_wait3A_279 : memref<128x16xf32, #tpu.memory_space<vmem>>)
      %dma_wait3A_286 = arith.constant 4 : i32
      %dma_wait3A_287 = arith.constant 4 : i32
      %dma_wait3A_288 = arith.constant 0 : i32
      %dma_wait3A_289 = tpu.memref_slice %arg9[%dma_wait3A_287, %dma_wait3A_288] : memref<8x128xf32, #tpu.memory_space<vmem>> -> memref<1x128xf32, #tpu.memory_space<vmem>>
      %dma_wait3A_290 = tpu.memref_squeeze %dma_wait3A_289 : memref<1x128xf32, #tpu.memory_space<vmem>> -> memref<128xf32, #tpu.memory_space<vmem>>
      %dma_wait3A_291 = arith.constant 0 : i32
      %dma_wait3A_292 = tpu.memref_slice %arg7[%dma_wait3A_286, %dma_wait3A_291] : memref<8x128xi32, #tpu.memory_space<vmem>> -> memref<1x128xi32, #tpu.memory_space<vmem>>
      %dma_wait3A_293 = tpu.memref_squeeze %dma_wait3A_292 : memref<1x128xi32, #tpu.memory_space<vmem>> -> memref<128xi32, #tpu.memory_space<vmem>>
      %dma_wait3A_294 = arith.constant 0 : i32
      %dma_wait3A_295 = tpu.memref_slice %arg4[%dma_wait3A_294] : memref<2600000xf32, #tpu.memory_space<hbm>> -> memref<2600000xf32, #tpu.memory_space<hbm>>
      tpu.wait_indirect_dma semaphore(%arg11 : memref<!tpu.dma_semaphore, #tpu.memory_space<semaphore_mem>>) src(%dma_wait3A_295 : memref<2600000xf32, #tpu.memory_space<hbm>>) dst(%dma_wait3A_290 : memref<128xf32, #tpu.memory_space<vmem>>)
      %dma_wait3A_296 = arith.constant 5 : i32
      %dma_wait3A_297 = arith.constant 5 : i32
      %dma_wait3A_298 = arith.constant 0 : i32
      %dma_wait3A_299 = arith.constant 0 : i32
      %dma_wait3A_300 = tpu.memref_slice %arg8[%dma_wait3A_297, %dma_wait3A_298, %dma_wait3A_299] : memref<8x128x16xf32, #tpu.memory_space<vmem>> -> memref<1x128x16xf32, #tpu.memory_space<vmem>>
      %dma_wait3A_301 = tpu.memref_squeeze %dma_wait3A_300 : memref<1x128x16xf32, #tpu.memory_space<vmem>> -> memref<128x16xf32, #tpu.memory_space<vmem>>
      %dma_wait3A_302 = arith.constant 0 : i32
      %dma_wait3A_303 = tpu.memref_slice %arg7[%dma_wait3A_296, %dma_wait3A_302] : memref<8x128xi32, #tpu.memory_space<vmem>> -> memref<1x128xi32, #tpu.memory_space<vmem>>
      %dma_wait3A_304 = tpu.memref_squeeze %dma_wait3A_303 : memref<1x128xi32, #tpu.memory_space<vmem>> -> memref<128xi32, #tpu.memory_space<vmem>>
      %dma_wait3A_305 = arith.constant 0 : i32
      %dma_wait3A_306 = arith.constant 0 : i32
      %dma_wait3A_307 = tpu.memref_slice %arg3[%dma_wait3A_305, %dma_wait3A_306] : memref<2600000x16xf32, #tpu.memory_space<hbm>> -> memref<2600000x16xf32, #tpu.memory_space<hbm>>
      tpu.wait_indirect_dma semaphore(%arg10 : memref<!tpu.dma_semaphore, #tpu.memory_space<semaphore_mem>>) src(%dma_wait3A_307 : memref<2600000x16xf32, #tpu.memory_space<hbm>>) dst(%dma_wait3A_301 : memref<128x16xf32, #tpu.memory_space<vmem>>)
      %dma_wait3A_308 = arith.constant 5 : i32
      %dma_wait3A_309 = arith.constant 5 : i32
      %dma_wait3A_310 = arith.constant 0 : i32
      %dma_wait3A_311 = tpu.memref_slice %arg9[%dma_wait3A_309, %dma_wait3A_310] : memref<8x128xf32, #tpu.memory_space<vmem>> -> memref<1x128xf32, #tpu.memory_space<vmem>>
      %dma_wait3A_312 = tpu.memref_squeeze %dma_wait3A_311 : memref<1x128xf32, #tpu.memory_space<vmem>> -> memref<128xf32, #tpu.memory_space<vmem>>
      %dma_wait3A_313 = arith.constant 0 : i32
      %dma_wait3A_314 = tpu.memref_slice %arg7[%dma_wait3A_308, %dma_wait3A_313] : memref<8x128xi32, #tpu.memory_space<vmem>> -> memref<1x128xi32, #tpu.memory_space<vmem>>
      %dma_wait3A_315 = tpu.memref_squeeze %dma_wait3A_314 : memref<1x128xi32, #tpu.memory_space<vmem>> -> memref<128xi32, #tpu.memory_space<vmem>>
      %dma_wait3A_316 = arith.constant 0 : i32
      %dma_wait3A_317 = tpu.memref_slice %arg4[%dma_wait3A_316] : memref<2600000xf32, #tpu.memory_space<hbm>> -> memref<2600000xf32, #tpu.memory_space<hbm>>
      tpu.wait_indirect_dma semaphore(%arg11 : memref<!tpu.dma_semaphore, #tpu.memory_space<semaphore_mem>>) src(%dma_wait3A_317 : memref<2600000xf32, #tpu.memory_space<hbm>>) dst(%dma_wait3A_312 : memref<128xf32, #tpu.memory_space<vmem>>)
      %dma_wait3A_318 = arith.constant 6 : i32
      %dma_wait3A_319 = arith.constant 6 : i32
      %dma_wait3A_320 = arith.constant 0 : i32
      %dma_wait3A_321 = arith.constant 0 : i32
      %dma_wait3A_322 = tpu.memref_slice %arg8[%dma_wait3A_319, %dma_wait3A_320, %dma_wait3A_321] : memref<8x128x16xf32, #tpu.memory_space<vmem>> -> memref<1x128x16xf32, #tpu.memory_space<vmem>>
      %dma_wait3A_323 = tpu.memref_squeeze %dma_wait3A_322 : memref<1x128x16xf32, #tpu.memory_space<vmem>> -> memref<128x16xf32, #tpu.memory_space<vmem>>
      %dma_wait3A_324 = arith.constant 0 : i32
      %dma_wait3A_325 = tpu.memref_slice %arg7[%dma_wait3A_318, %dma_wait3A_324] : memref<8x128xi32, #tpu.memory_space<vmem>> -> memref<1x128xi32, #tpu.memory_space<vmem>>
      %dma_wait3A_326 = tpu.memref_squeeze %dma_wait3A_325 : memref<1x128xi32, #tpu.memory_space<vmem>> -> memref<128xi32, #tpu.memory_space<vmem>>
      %dma_wait3A_327 = arith.constant 0 : i32
      %dma_wait3A_328 = arith.constant 0 : i32
      %dma_wait3A_329 = tpu.memref_slice %arg3[%dma_wait3A_327, %dma_wait3A_328] : memref<2600000x16xf32, #tpu.memory_space<hbm>> -> memref<2600000x16xf32, #tpu.memory_space<hbm>>
      tpu.wait_indirect_dma semaphore(%arg10 : memref<!tpu.dma_semaphore, #tpu.memory_space<semaphore_mem>>) src(%dma_wait3A_329 : memref<2600000x16xf32, #tpu.memory_space<hbm>>) dst(%dma_wait3A_323 : memref<128x16xf32, #tpu.memory_space<vmem>>)
      %dma_wait3A_330 = arith.constant 6 : i32
      %dma_wait3A_331 = arith.constant 6 : i32
      %dma_wait3A_332 = arith.constant 0 : i32
      %dma_wait3A_333 = tpu.memref_slice %arg9[%dma_wait3A_331, %dma_wait3A_332] : memref<8x128xf32, #tpu.memory_space<vmem>> -> memref<1x128xf32, #tpu.memory_space<vmem>>
      %dma_wait3A_334 = tpu.memref_squeeze %dma_wait3A_333 : memref<1x128xf32, #tpu.memory_space<vmem>> -> memref<128xf32, #tpu.memory_space<vmem>>
      %dma_wait3A_335 = arith.constant 0 : i32
      %dma_wait3A_336 = tpu.memref_slice %arg7[%dma_wait3A_330, %dma_wait3A_335] : memref<8x128xi32, #tpu.memory_space<vmem>> -> memref<1x128xi32, #tpu.memory_space<vmem>>
      %dma_wait3A_337 = tpu.memref_squeeze %dma_wait3A_336 : memref<1x128xi32, #tpu.memory_space<vmem>> -> memref<128xi32, #tpu.memory_space<vmem>>
      %dma_wait3A_338 = arith.constant 0 : i32
      %dma_wait3A_339 = tpu.memref_slice %arg4[%dma_wait3A_338] : memref<2600000xf32, #tpu.memory_space<hbm>> -> memref<2600000xf32, #tpu.memory_space<hbm>>
      tpu.wait_indirect_dma semaphore(%arg11 : memref<!tpu.dma_semaphore, #tpu.memory_space<semaphore_mem>>) src(%dma_wait3A_339 : memref<2600000xf32, #tpu.memory_space<hbm>>) dst(%dma_wait3A_334 : memref<128xf32, #tpu.memory_space<vmem>>)
      %dma_wait3A_340 = arith.constant 7 : i32
      %dma_wait3A_341 = arith.constant 7 : i32
      %dma_wait3A_342 = arith.constant 0 : i32
      %dma_wait3A_343 = arith.constant 0 : i32
      %dma_wait3A_344 = tpu.memref_slice %arg8[%dma_wait3A_341, %dma_wait3A_342, %dma_wait3A_343] : memref<8x128x16xf32, #tpu.memory_space<vmem>> -> memref<1x128x16xf32, #tpu.memory_space<vmem>>
      %dma_wait3A_345 = tpu.memref_squeeze %dma_wait3A_344 : memref<1x128x16xf32, #tpu.memory_space<vmem>> -> memref<128x16xf32, #tpu.memory_space<vmem>>
      %dma_wait3A_346 = arith.constant 0 : i32
      %dma_wait3A_347 = tpu.memref_slice %arg7[%dma_wait3A_340, %dma_wait3A_346] : memref<8x128xi32, #tpu.memory_space<vmem>> -> memref<1x128xi32, #tpu.memory_space<vmem>>
      %dma_wait3A_348 = tpu.memref_squeeze %dma_wait3A_347 : memref<1x128xi32, #tpu.memory_space<vmem>> -> memref<128xi32, #tpu.memory_space<vmem>>
      %dma_wait3A_349 = arith.constant 0 : i32
      %dma_wait3A_350 = arith.constant 0 : i32
      %dma_wait3A_351 = tpu.memref_slice %arg3[%dma_wait3A_349, %dma_wait3A_350] : memref<2600000x16xf32, #tpu.memory_space<hbm>> -> memref<2600000x16xf32, #tpu.memory_space<hbm>>
      tpu.wait_indirect_dma semaphore(%arg10 : memref<!tpu.dma_semaphore, #tpu.memory_space<semaphore_mem>>) src(%dma_wait3A_351 : memref<2600000x16xf32, #tpu.memory_space<hbm>>) dst(%dma_wait3A_345 : memref<128x16xf32, #tpu.memory_space<vmem>>)
      %dma_wait3A_352 = arith.constant 7 : i32
      %dma_wait3A_353 = arith.constant 7 : i32
      %dma_wait3A_354 = arith.constant 0 : i32
      %dma_wait3A_355 = tpu.memref_slice %arg9[%dma_wait3A_353, %dma_wait3A_354] : memref<8x128xf32, #tpu.memory_space<vmem>> -> memref<1x128xf32, #tpu.memory_space<vmem>>
      %dma_wait3A_356 = tpu.memref_squeeze %dma_wait3A_355 : memref<1x128xf32, #tpu.memory_space<vmem>> -> memref<128xf32, #tpu.memory_space<vmem>>
      %dma_wait3A_357 = arith.constant 0 : i32
      %dma_wait3A_358 = tpu.memref_slice %arg7[%dma_wait3A_352, %dma_wait3A_357] : memref<8x128xi32, #tpu.memory_space<vmem>> -> memref<1x128xi32, #tpu.memory_space<vmem>>
      %dma_wait3A_359 = tpu.memref_squeeze %dma_wait3A_358 : memref<1x128xi32, #tpu.memory_space<vmem>> -> memref<128xi32, #tpu.memory_space<vmem>>
      %dma_wait3A_360 = arith.constant 0 : i32
      %dma_wait3A_361 = tpu.memref_slice %arg4[%dma_wait3A_360] : memref<2600000xf32, #tpu.memory_space<hbm>> -> memref<2600000xf32, #tpu.memory_space<hbm>>
      tpu.wait_indirect_dma semaphore(%arg11 : memref<!tpu.dma_semaphore, #tpu.memory_space<semaphore_mem>>) src(%dma_wait3A_361 : memref<2600000xf32, #tpu.memory_space<hbm>>) dst(%dma_wait3A_356 : memref<128xf32, #tpu.memory_space<vmem>>)
      "tpu.region"() ({
        %run_scoped3A = tpu.sem_alloc : memref<!tpu.dma_semaphore, #tpu.memory_space<semaphore_mem>>
        %dma_start3A_362 = arith.constant 0 : i32
        %dma_start3A_363 = arith.constant 0 : i32
        %dma_start3A_364 = tpu.memref_slice %arg5[%add3A_11, %dma_start3A_362, %dma_start3A_363] : memref<16640x128x16xf32, #tpu.memory_space<hbm>> -> memref<8x128x16xf32, #tpu.memory_space<hbm>>
        %dma_start3A_365 = arith.constant 0 : i32
        %dma_start3A_366 = arith.constant 0 : i32
        %dma_start3A_367 = tpu.memref_slice %arg5[%add3A_11, %dma_start3A_365, %dma_start3A_366] : memref<16640x128x16xf32, #tpu.memory_space<hbm>> -> memref<8x128x16xf32, #tpu.memory_space<hbm>>
        tpu.enqueue_dma source(%arg8 : memref<8x128x16xf32, #tpu.memory_space<vmem>>) target(%dma_start3A_367 : memref<8x128x16xf32, #tpu.memory_space<hbm>>) target_semaphore(%run_scoped3A : memref<!tpu.dma_semaphore, #tpu.memory_space<semaphore_mem>>)
        %dma_wait3A_368 = arith.constant 0 : i32
        %dma_wait3A_369 = arith.constant 0 : i32
        %dma_wait3A_370 = tpu.memref_slice %arg5[%add3A_11, %dma_wait3A_368, %dma_wait3A_369] : memref<16640x128x16xf32, #tpu.memory_space<hbm>> -> memref<8x128x16xf32, #tpu.memory_space<hbm>>
        %dma_wait3A_371 = arith.constant 0 : i32
        %dma_wait3A_372 = arith.constant 0 : i32
        %dma_wait3A_373 = tpu.memref_slice %arg5[%add3A_11, %dma_wait3A_371, %dma_wait3A_372] : memref<16640x128x16xf32, #tpu.memory_space<hbm>> -> memref<8x128x16xf32, #tpu.memory_space<hbm>>
        tpu.wait_dma2 semaphore(%run_scoped3A : memref<!tpu.dma_semaphore, #tpu.memory_space<semaphore_mem>>) src(%arg8 : memref<8x128x16xf32, #tpu.memory_space<vmem>>) dst(%dma_wait3A_373 : memref<8x128x16xf32, #tpu.memory_space<hbm>>)
        tpu.yield
      }) : () -> ()
      "tpu.region"() ({
        %run_scoped3A = tpu.sem_alloc : memref<!tpu.dma_semaphore, #tpu.memory_space<semaphore_mem>>
        %dma_start3A_362 = arith.constant 0 : i32
        %dma_start3A_363 = tpu.memref_slice %arg6[%add3A_11, %dma_start3A_362] : memref<16640x128xf32, #tpu.memory_space<hbm>> -> memref<8x128xf32, #tpu.memory_space<hbm>>
        %dma_start3A_364 = arith.constant 0 : i32
        %dma_start3A_365 = tpu.memref_slice %arg6[%add3A_11, %dma_start3A_364] : memref<16640x128xf32, #tpu.memory_space<hbm>> -> memref<8x128xf32, #tpu.memory_space<hbm>>
        tpu.enqueue_dma source(%arg9 : memref<8x128xf32, #tpu.memory_space<vmem>>) target(%dma_start3A_365 : memref<8x128xf32, #tpu.memory_space<hbm>>) target_semaphore(%run_scoped3A : memref<!tpu.dma_semaphore, #tpu.memory_space<semaphore_mem>>)
        %dma_wait3A_366 = arith.constant 0 : i32
        %dma_wait3A_367 = tpu.memref_slice %arg6[%add3A_11, %dma_wait3A_366] : memref<16640x128xf32, #tpu.memory_space<hbm>> -> memref<8x128xf32, #tpu.memory_space<hbm>>
        %dma_wait3A_368 = arith.constant 0 : i32
        %dma_wait3A_369 = tpu.memref_slice %arg6[%add3A_11, %dma_wait3A_368] : memref<16640x128xf32, #tpu.memory_space<hbm>> -> memref<8x128xf32, #tpu.memory_space<hbm>>
        tpu.wait_dma2 semaphore(%run_scoped3A : memref<!tpu.dma_semaphore, #tpu.memory_space<semaphore_mem>>) src(%arg9 : memref<8x128xf32, #tpu.memory_space<vmem>>) dst(%dma_wait3A_369 : memref<8x128xf32, #tpu.memory_space<hbm>>)
        tpu.yield
      }) : () -> ()
    }
    %scan3A_7 = arith.constant 65 : i32
    return
  }
}

module attributes {stable_mosaic.version = 14 : i64} {
  func.func @_tc_body(%arg0: i32, %arg1: memref<512x416xf32, #tpu.memory_space<vmem>>, %arg2: memref<512x26xf32, #tpu.memory_space<vmem>>, %arg3: memref<512x13xf32, #tpu.memory_space<vmem>>, %arg4: memref<416x16xf32, #tpu.memory_space<vmem>>, %arg5: memref<416x256xf32, #tpu.memory_space<vmem>>, %arg6: memref<13x256xf32, #tpu.memory_space<vmem>>, %arg7: memref<13x1xf32, #tpu.memory_space<vmem>>, %arg8: memref<256x128xf32, #tpu.memory_space<vmem>>, %arg9: memref<128x128xf32, #tpu.memory_space<vmem>>, %arg10: memref<2x128xf32, #tpu.memory_space<vmem>>, %arg11: memref<1x256xf32, #tpu.memory_space<vmem>>, %arg12: memref<1x128xf32, #tpu.memory_space<vmem>>, %arg13: memref<1x128xf32, #tpu.memory_space<vmem>>, %arg14: memref<1x1xf32, #tpu.memory_space<vmem>>, %arg15: memref<512x128xf32, #tpu.memory_space<vmem>>) attributes {dimension_semantics = [#tpu.dimension_semantics<arbitrary>], iteration_bounds = array<i64: 160>, scalar_prefetch = 0 : i64, scratch_operands = 0 : i64, tpu.core_type = #tpu.core_type<tc>, window_params = [{transform_indices = @transform_0, window_bounds = array<i64: 512, 416>}, {transform_indices = @transform_1, window_bounds = array<i64: 512, 26>}, {transform_indices = @transform_2, window_bounds = array<i64: 512, 13>}, {pipeline_mode = #tpu.pipeline_mode<synchronous>, transform_indices = @transform_3, window_bounds = array<i64: 416, 16>}, {pipeline_mode = #tpu.pipeline_mode<synchronous>, transform_indices = @transform_4, window_bounds = array<i64: 416, 256>}, {pipeline_mode = #tpu.pipeline_mode<synchronous>, transform_indices = @transform_5, window_bounds = array<i64: 13, 256>}, {pipeline_mode = #tpu.pipeline_mode<synchronous>, transform_indices = @transform_6, window_bounds = array<i64: 13, 1>}, {pipeline_mode = #tpu.pipeline_mode<synchronous>, transform_indices = @transform_7, window_bounds = array<i64: 256, 128>}, {pipeline_mode = #tpu.pipeline_mode<synchronous>, transform_indices = @transform_8, window_bounds = array<i64: 128, 128>}, {pipeline_mode = #tpu.pipeline_mode<synchronous>, transform_indices = @transform_9, window_bounds = array<i64: 2, 128>}, {pipeline_mode = #tpu.pipeline_mode<synchronous>, transform_indices = @transform_10, window_bounds = array<i64: 1, 256>}, {pipeline_mode = #tpu.pipeline_mode<synchronous>, transform_indices = @transform_11, window_bounds = array<i64: 1, 128>}, {pipeline_mode = #tpu.pipeline_mode<synchronous>, transform_indices = @transform_12, window_bounds = array<i64: 1, 128>}, {pipeline_mode = #tpu.pipeline_mode<synchronous>, transform_indices = @transform_13, window_bounds = array<i64: 1, 1>}, {transform_indices = @transform_14, window_bounds = array<i64: 512, 128>}]} {
    %get3A = arith.constant 0 : index
    %get3A_0 = arith.constant 0 : index
    %get3A_1 = vector.load %arg1[%get3A, %get3A_0] : memref<512x416xf32, #tpu.memory_space<vmem>>, vector<512x416xf32>
    %get3A_2 = arith.constant 0 : index
    %get3A_3 = arith.constant 0 : index
    %get3A_4 = vector.load %arg3[%get3A_2, %get3A_3] : memref<512x13xf32, #tpu.memory_space<vmem>>, vector<512x13xf32>
    %get3A_5 = arith.constant 0 : index
    %get3A_6 = arith.constant 0 : index
    %get3A_7 = vector.load %arg2[%get3A_5, %get3A_6] : memref<512x26xf32, #tpu.memory_space<vmem>>, vector<512x26xf32>
    %reduce_sum3A = arith.constant dense<0.000000e+00> : vector<512xf32>
    %reduce_sum3A_8 = vector.multi_reduction <add>, %get3A_7, %reduce_sum3A [1] : vector<512x26xf32> to vector<512xf32>
    %broadcast_in_dim3A = vector.shape_cast %reduce_sum3A_8 : vector<512xf32> to vector<512x1xf32>
    %get3A_9 = arith.constant 0 : index
    %get3A_10 = arith.constant 0 : index
    %get3A_11 = vector.load %arg7[%get3A_9, %get3A_10] : memref<13x1xf32, #tpu.memory_space<vmem>>, vector<13x1xf32>
    %dot_general3A = arith.constant dense<0.000000e+00> : vector<512x1xf32>
    %dot_general3A_12 = tpu.matmul %get3A_4, %get3A_11, %dot_general3A {dimension_numbers = #tpu.dot_dimension_numbers<[1], [0], [0], [1], [0, 0, 1, 1], [], []>, transpose_lhs_hint = false} : vector<512x13xf32>, vector<13x1xf32>, vector<512x1xf32> -> vector<512x1xf32>
    %add3A = arith.addf %broadcast_in_dim3A, %dot_general3A_12 : vector<512x1xf32>
    %get3A_13 = arith.constant 0 : index
    %get3A_14 = arith.constant 0 : index
    %get3A_15 = vector.load %arg14[%get3A_13, %get3A_14] : memref<1x1xf32, #tpu.memory_space<vmem>>, vector<1x1xf32>
    %get3A_16 = vector.extract %get3A_15[0, 0] : f32 from vector<1x1xf32>
    %add3A_17 = vector.broadcast %get3A_16 : f32 to vector<512x1xf32>
    %add3A_18 = arith.addf %add3A, %add3A_17 : vector<512x1xf32>
    %get3A_19 = arith.constant 0 : index
    %get3A_20 = arith.constant 0 : index
    %get3A_21 = vector.load %arg4[%get3A_19, %get3A_20] : memref<416x16xf32, #tpu.memory_space<vmem>>, vector<416x16xf32>
    %dot_general3A_22 = arith.constant dense<0.000000e+00> : vector<512x16xf32>
    %dot_general3A_23 = tpu.matmul %get3A_1, %get3A_21, %dot_general3A_22 {dimension_numbers = #tpu.dot_dimension_numbers<[1], [0], [0], [1], [0, 0, 1, 1], [], []>, transpose_lhs_hint = false} : vector<512x416xf32>, vector<416x16xf32>, vector<512x16xf32> -> vector<512x16xf32>
    %mul3A = arith.mulf %get3A_1, %get3A_1 : vector<512x416xf32>
    %dot_general3A_24 = arith.constant dense<0.000000e+00> : vector<512x16xf32>
    %dot_general3A_25 = tpu.matmul %mul3A, %get3A_21, %dot_general3A_24 {dimension_numbers = #tpu.dot_dimension_numbers<[1], [0], [0], [1], [0, 0, 1, 1], [], []>, transpose_lhs_hint = false} : vector<512x416xf32>, vector<416x16xf32>, vector<512x16xf32> -> vector<512x16xf32>
    %mul3A_26 = arith.mulf %dot_general3A_23, %dot_general3A_23 : vector<512x16xf32>
    %sub3A = arith.subf %mul3A_26, %dot_general3A_25 : vector<512x16xf32>
    %reduce_sum3A_27 = arith.constant dense<0.000000e+00> : vector<512xf32>
    %reduce_sum3A_28 = vector.multi_reduction <add>, %sub3A, %reduce_sum3A_27 [1] : vector<512x16xf32> to vector<512xf32>
    %broadcast_in_dim3A_29 = vector.shape_cast %reduce_sum3A_28 : vector<512xf32> to vector<512x1xf32>
    %mul3A_30 = arith.constant 5.000000e-01 : f32
    %mul3A_31 = vector.broadcast %mul3A_30 : f32 to vector<512x1xf32>
    %mul3A_32 = arith.mulf %mul3A_31, %broadcast_in_dim3A_29 : vector<512x1xf32>
    %get3A_33 = arith.constant 0 : index
    %get3A_34 = arith.constant 0 : index
    %get3A_35 = vector.load %arg5[%get3A_33, %get3A_34] : memref<416x256xf32, #tpu.memory_space<vmem>>, vector<416x256xf32>
    %dot_general3A_36 = arith.constant dense<0.000000e+00> : vector<512x256xf32>
    %dot_general3A_37 = tpu.matmul %get3A_1, %get3A_35, %dot_general3A_36 {dimension_numbers = #tpu.dot_dimension_numbers<[1], [0], [0], [1], [0, 0, 1, 1], [], []>, transpose_lhs_hint = false} : vector<512x416xf32>, vector<416x256xf32>, vector<512x256xf32> -> vector<512x256xf32>
    %get3A_38 = arith.constant 0 : index
    %get3A_39 = arith.constant 0 : index
    %get3A_40 = vector.load %arg6[%get3A_38, %get3A_39] : memref<13x256xf32, #tpu.memory_space<vmem>>, vector<13x256xf32>
    %dot_general3A_41 = arith.constant dense<0.000000e+00> : vector<512x256xf32>
    %dot_general3A_42 = tpu.matmul %get3A_4, %get3A_40, %dot_general3A_41 {dimension_numbers = #tpu.dot_dimension_numbers<[1], [0], [0], [1], [0, 0, 1, 1], [], []>, transpose_lhs_hint = false} : vector<512x13xf32>, vector<13x256xf32>, vector<512x256xf32> -> vector<512x256xf32>
    %add3A_43 = arith.addf %dot_general3A_37, %dot_general3A_42 : vector<512x256xf32>
    %get3A_44 = arith.constant 0 : index
    %get3A_45 = arith.constant 0 : index
    %get3A_46 = vector.load %arg11[%get3A_44, %get3A_45] : memref<1x256xf32, #tpu.memory_space<vmem>>, vector<1x256xf32>
    %add3A_47 = vector.broadcast %get3A_46 : vector<1x256xf32> to vector<512x256xf32>
    %add3A_48 = arith.addf %add3A_43, %add3A_47 : vector<512x256xf32>
    %max3A = arith.constant 0.000000e+00 : f32
    %max3A_49 = vector.broadcast %max3A : f32 to vector<512x256xf32>
    %max3A_50 = arith.maximumf %add3A_48, %max3A_49 : vector<512x256xf32>
    %get3A_51 = arith.constant 0 : index
    %get3A_52 = arith.constant 0 : index
    %get3A_53 = vector.load %arg8[%get3A_51, %get3A_52] : memref<256x128xf32, #tpu.memory_space<vmem>>, vector<256x128xf32>
    %dot_general3A_54 = arith.constant dense<0.000000e+00> : vector<512x128xf32>
    %dot_general3A_55 = tpu.matmul %max3A_50, %get3A_53, %dot_general3A_54 {dimension_numbers = #tpu.dot_dimension_numbers<[1], [0], [0], [1], [0, 0, 1, 1], [], []>, transpose_lhs_hint = false} : vector<512x256xf32>, vector<256x128xf32>, vector<512x128xf32> -> vector<512x128xf32>
    %get3A_56 = arith.constant 0 : index
    %get3A_57 = arith.constant 0 : index
    %get3A_58 = vector.load %arg12[%get3A_56, %get3A_57] : memref<1x128xf32, #tpu.memory_space<vmem>>, vector<1x128xf32>
    %add3A_59 = vector.broadcast %get3A_58 : vector<1x128xf32> to vector<512x128xf32>
    %add3A_60 = arith.addf %dot_general3A_55, %add3A_59 : vector<512x128xf32>
    %max3A_61 = arith.constant 0.000000e+00 : f32
    %max3A_62 = vector.broadcast %max3A_61 : f32 to vector<512x128xf32>
    %max3A_63 = arith.maximumf %add3A_60, %max3A_62 : vector<512x128xf32>
    %get3A_64 = arith.constant 0 : index
    %get3A_65 = arith.constant 0 : index
    %get3A_66 = vector.load %arg10[%get3A_64, %get3A_65] : memref<2x128xf32, #tpu.memory_space<vmem>>, vector<2x128xf32>
    %get3A_67 = arith.constant 0 : index
    %get3A_68 = arith.constant 0 : index
    %get3A_69 = vector.load %arg9[%get3A_67, %get3A_68] : memref<128x128xf32, #tpu.memory_space<vmem>>, vector<128x128xf32>
    %dot_general3A_70 = arith.constant dense<0.000000e+00> : vector<512x128xf32>
    %dot_general3A_71 = tpu.matmul %max3A_63, %get3A_69, %dot_general3A_70 {dimension_numbers = #tpu.dot_dimension_numbers<[1], [0], [0], [1], [0, 0, 1, 1], [], []>, transpose_lhs_hint = false} : vector<512x128xf32>, vector<128x128xf32>, vector<512x128xf32> -> vector<512x128xf32>
    %slice3A = vector.extract_strided_slice %get3A_66 {offsets = [0, 0], sizes = [1, 128], strides = [1, 1]} : vector<2x128xf32> to vector<1x128xf32>
    %mul3A_72 = vector.broadcast %add3A_18 : vector<512x1xf32> to vector<512x128xf32>
    %mul3A_73 = vector.broadcast %slice3A : vector<1x128xf32> to vector<512x128xf32>
    %mul3A_74 = arith.mulf %mul3A_72, %mul3A_73 : vector<512x128xf32>
    %slice3A_75 = vector.extract_strided_slice %get3A_66 {offsets = [1, 0], sizes = [1, 128], strides = [1, 1]} : vector<2x128xf32> to vector<1x128xf32>
    %mul3A_76 = vector.broadcast %mul3A_32 : vector<512x1xf32> to vector<512x128xf32>
    %mul3A_77 = vector.broadcast %slice3A_75 : vector<1x128xf32> to vector<512x128xf32>
    %mul3A_78 = arith.mulf %mul3A_76, %mul3A_77 : vector<512x128xf32>
    %add3A_79 = arith.addf %mul3A_74, %mul3A_78 : vector<512x128xf32>
    %get3A_80 = arith.constant 0 : index
    %get3A_81 = arith.constant 0 : index
    %get3A_82 = vector.load %arg13[%get3A_80, %get3A_81] : memref<1x128xf32, #tpu.memory_space<vmem>>, vector<1x128xf32>
    %add3A_83 = vector.broadcast %get3A_82 : vector<1x128xf32> to vector<512x128xf32>
    %add3A_84 = arith.addf %add3A_79, %add3A_83 : vector<512x128xf32>
    %add3A_85 = arith.addf %dot_general3A_71, %add3A_84 : vector<512x128xf32>
    %max3A_86 = arith.constant 0.000000e+00 : f32
    %max3A_87 = vector.broadcast %max3A_86 : f32 to vector<512x128xf32>
    %max3A_88 = arith.maximumf %add3A_85, %max3A_87 : vector<512x128xf32>
    %swap3A = arith.constant 0 : index
    %swap3A_89 = arith.constant 0 : index
    %swap3A_90 = vector.load %arg15[%swap3A, %swap3A_89] : memref<512x128xf32, #tpu.memory_space<vmem>>, vector<512x128xf32>
    tpu.vector_store %arg15[%swap3A, %swap3A_89], %max3A_88 {strides = array<i32>} : memref<512x128xf32, #tpu.memory_space<vmem>>, vector<512x128xf32>,
    return
  }
  func.func @transform_0(%arg0: i32) -> (i32, i32) {
    %c0_i32 = arith.constant 0 : i32
    %c0_i32_0 = arith.constant 0 : i32
    return %arg0, %c0_i32 : i32, i32
  }
  func.func @transform_1(%arg0: i32) -> (i32, i32) {
    %c0_i32 = arith.constant 0 : i32
    %c0_i32_0 = arith.constant 0 : i32
    return %arg0, %c0_i32 : i32, i32
  }
  func.func @transform_2(%arg0: i32) -> (i32, i32) {
    %c0_i32 = arith.constant 0 : i32
    %c0_i32_0 = arith.constant 0 : i32
    return %arg0, %c0_i32 : i32, i32
  }
  func.func @transform_3(%arg0: i32) -> (i32, i32) {
    %c0_i32 = arith.constant 0 : i32
    %c0_i32_0 = arith.constant 0 : i32
    %c0_i32_1 = arith.constant 0 : i32
    return %c0_i32, %c0_i32_0 : i32, i32
  }
  func.func @transform_4(%arg0: i32) -> (i32, i32) {
    %c0_i32 = arith.constant 0 : i32
    %c0_i32_0 = arith.constant 0 : i32
    %c0_i32_1 = arith.constant 0 : i32
    return %c0_i32, %c0_i32_0 : i32, i32
  }
  func.func @transform_5(%arg0: i32) -> (i32, i32) {
    %c0_i32 = arith.constant 0 : i32
    %c0_i32_0 = arith.constant 0 : i32
    %c0_i32_1 = arith.constant 0 : i32
    return %c0_i32, %c0_i32_0 : i32, i32
  }
  func.func @transform_6(%arg0: i32) -> (i32, i32) {
    %c0_i32 = arith.constant 0 : i32
    %c0_i32_0 = arith.constant 0 : i32
    %c0_i32_1 = arith.constant 0 : i32
    return %c0_i32, %c0_i32_0 : i32, i32
  }
  func.func @transform_7(%arg0: i32) -> (i32, i32) {
    %c0_i32 = arith.constant 0 : i32
    %c0_i32_0 = arith.constant 0 : i32
    %c0_i32_1 = arith.constant 0 : i32
    return %c0_i32, %c0_i32_0 : i32, i32
  }
  func.func @transform_8(%arg0: i32) -> (i32, i32) {
    %c0_i32 = arith.constant 0 : i32
    %c0_i32_0 = arith.constant 0 : i32
    %c0_i32_1 = arith.constant 0 : i32
    return %c0_i32, %c0_i32_0 : i32, i32
  }
  func.func @transform_9(%arg0: i32) -> (i32, i32) {
    %c0_i32 = arith.constant 0 : i32
    %c0_i32_0 = arith.constant 0 : i32
    %c0_i32_1 = arith.constant 0 : i32
    return %c0_i32, %c0_i32_0 : i32, i32
  }
  func.func @transform_10(%arg0: i32) -> (i32, i32) {
    %c0_i32 = arith.constant 0 : i32
    %c0_i32_0 = arith.constant 0 : i32
    %c0_i32_1 = arith.constant 0 : i32
    return %c0_i32, %c0_i32_0 : i32, i32
  }
  func.func @transform_11(%arg0: i32) -> (i32, i32) {
    %c0_i32 = arith.constant 0 : i32
    %c0_i32_0 = arith.constant 0 : i32
    %c0_i32_1 = arith.constant 0 : i32
    return %c0_i32, %c0_i32_0 : i32, i32
  }
  func.func @transform_12(%arg0: i32) -> (i32, i32) {
    %c0_i32 = arith.constant 0 : i32
    %c0_i32_0 = arith.constant 0 : i32
    %c0_i32_1 = arith.constant 0 : i32
    return %c0_i32, %c0_i32_0 : i32, i32
  }
  func.func @transform_13(%arg0: i32) -> (i32, i32) {
    %c0_i32 = arith.constant 0 : i32
    %c0_i32_0 = arith.constant 0 : i32
    %c0_i32_1 = arith.constant 0 : i32
    return %c0_i32, %c0_i32_0 : i32, i32
  }
  func.func @transform_14(%arg0: i32) -> (i32, i32) {
    %c0_i32 = arith.constant 0 : i32
    %c0_i32_0 = arith.constant 0 : i32
    return %arg0, %c0_i32 : i32, i32
  }
}

</mosaic_0001>

<sc_bundles>
// kernel: kernel.4.cloned.1.call-start
scs
__scs_entry_jumppad:
0x0: {  	(pc) =	sbr.rel $0x88, $3  }
0x1: {  	(tag) =	ssettag $0x0;
	lr =	simm.s32 $0x1  }
0x2: {  	[smem:$0x3F95] =	sst lr;
	_ =	strace $0xD0000000  }
0x3: {  	_ = 	snop  }
0x4: {  	_ = 	snop  }
0x5: {  	_ = 	snop  }
0x6: {  	_ = 	snop  }
0x7: {  	_ = 	snop  }
__scs_overlays_trampoline_lowered:
0x8: {  	[smem:$0x3FA4] =	sst s0  }
0x9: {  	[smem:$0x3FA5] =	sst s1  }
0xa: {  	[smem:$0x3FA6] =	sst s2  }
0xb: {  	[smem:$0x3FA7] =	sst s3  }
0xc: {  	[smem:$0x3FA8] =	sst s4  }
0xd: {  	[smem:$0x3FA9] =	sst s5  }
0xe: {  	[smem:$0x3FAA] =	sst s6  }
0xf: {  	[smem:$0x3FAB] =	sst s7  }
0x10: {  	[smem:$0x3FAC] =	sst s8  }
0x11: {  	[smem:$0x3FAD] =	sst s9;
	s0 =	simm.s32 @!p0 $0x0  }
0x12: {  	s1 =	sld [smem:$0x3F93];
	s0 =	simm.s32 @p0 $0x1  }
0x13: {  	[smem:$0x3FAE] =	sst s0;
	s0 =	simm.s32 @!p1 $0x0  }
0x14: {  	s2 =	sld [smem:$0x3F92];
	s0 =	simm.s32 @p1 $0x1  }
0x15: {  	[smem:$0x3FAF] =	sst s0;
	s0 =	simm.s32 @!p2 $0x0  }
0x16: {  	s3 =	sld [smem:$0x3FDB];
	s0 =	simm.s32 @p2 $0x1  }
0x17: {  	s4 =	simm.s32 $0x1BF5;
	[smem:$0x3FB1] =	sst s0  }
0x18: {  	s0 =	sld [smem:$0x3F94];
	_ =	swait.ge [sflag:s4], $0x0  }
0x19: {  	s7 =	sld [smem:$0x3F95]  }
0x1a: {  	s8 =	sadd.s32 $0xFFFFE003, lr  }
0x1b: {  	s9 =	sadd.s32 $0xFFFFFEF7, lr;
	s5 =	simm.s32 $0xFFFFFFFF;
	p2 =	slt.u32 s8, $0xFFFFF086  }
0x1c: {  	p1 =	slt.u32 s9, $0xF7A;
	s5 =	simm.s32 @!p2 $0x0  }
0x1d: {  	s5 =	simm.s32 @p1 $0x1;
	p0 =	seq.s32 s7, s2  }
0x1e: {  	s7 =	smul.u32 @!p0 $0xF7A, s2;
	p2 =	seq.s32 @!p0 s5, $0x0  }
0x1f: {  	s9 =	smul.u32 $0xF7A, s1;
	s8 =	simm.s32 @!p0 $0x1BF5;
	p2 =	por !p2, p0  }
0x20: {  	[sflag:s8] =	ssyncset.s32 @!p0 $0xFFFFF086;
	s6 =	sadd.s32 @!p0 s3, s7;
	s7 =	simm.s32 @!p0 $0x108  }
0x21: {  	s3 =	sadd.s32 s3, s9;
	s6 =	sadd.s32 @!p0 $0x88, s6;
	s7 =	simm.s32 @p2 $0x1082  }
0x22: {  	[simem:s7], [sflag:s8] =	dma.local @!p0 [hbm:s6], $0xF7A  }
0x23: {  	s9 =	sor.u32 $0xD0000000, s2;
	s6 =	simm.s32 $0x108;
	_ =	swait.ge @!p0 [sflag:s8], $0x0  }
0x24: {  	s3 =	sadd.s32 $0x88, s3;
	s6 =	simm.s32 @!p1 $0x1082;
	[sflag:s4] =	ssyncset.s32 $0xFFFFF086  }
0x25: {  	[simem:s6], [sflag:s4] =	dma.local [hbm:s3], $0xF7A  }
0x26: {  	[smem:$0x3F95] =	sst s1;
	(tag) =	ssettag s2;
	_ =	strace s9  }
0x27: {  	s1 =	sld [smem:$0x3FA5]  }
0x28: {  	s2 =	sld [smem:$0x3FA6]  }
0x29: {  	s4 =	sld [smem:$0x3FA8]  }
0x2a: {  	p0 =	seq.s32 s5, $0x0;
	s5 =	sld [smem:$0x3FA9]  }
0x2b: {  	s6 =	sld [smem:$0x3FAA]  }
0x2c: {  	s7 =	sld [smem:$0x3FAB]  }
0x2d: {  	s3 =	simm.s32 $0x108;
	s8 =	sld [smem:$0x3FAC]  }
0x2e: {  	s3 =	simm.s32 @!p0 $0x1082;
	s9 =	sld [smem:$0x3FAD]  }
0x2f: {  	lr =	sadd.s32 s0, s3;
	s0 =	sld [smem:$0x3FA4]  }
0x30: {  	s3 =	sld [smem:$0x3FA7]  }
0x31: {  	[smem:$0x3FB0] =	sst s10  }
0x32: {  	s10 =	sld [smem:$0x3FAE];
	_ =	sdelay $0x3  }
0x33: {  	p0 =	seq.s32 s10, $0x1;
	s10 =	sld [smem:$0x3FB0];
	_ =	sdelay $0x3  }
0x34: {  	[smem:$0x3FB0] =	sst s10  }
0x35: {  	s10 =	sld [smem:$0x3FAF];
	_ =	sdelay $0x3  }
0x36: {  	p1 =	seq.s32 s10, $0x1;
	s10 =	sld [smem:$0x3FB0];
	_ =	sdelay $0x3  }
0x37: {  	[smem:$0x3FB0] =	sst s10  }
0x38: {  	s10 =	sld [smem:$0x3FB1]  }
0x39: {  	_ = 	snop;
	(pc) =	sbr.ind lr, $3  }
0x3a: {  	_ = 	snop  }
0x3b: {  	_ = 	snop  }
0x3c: {  	p2 =	seq.s32 s10, $0x1;
	s10 =	sld [smem:$0x3FB0]  }
0x3d: {  	_ =	shalt  }
0x3e: {  	_ =	shalt  }
0x3f: {  	_ =	shalt  }
0x40: {  	_ =	shalt  }
0x41: {  	_ =	shalt  }
0x42: {  	_ =	shalt  }
0x43: {  	_ =	shalt  }
0x44: {  	_ =	shalt  }
0x45: {  	_ =	shalt  }
0x46: {  	_ =	shalt  }
0x47: {  	_ =	shalt  }
0x48: {  	_ =	shalt  }
0x49: {  	_ =	shalt  }
0x4a: {  	_ =	shalt  }
0x4b: {  	_ =	shalt  }
0x4c: {  	_ =	shalt  }
0x4d: {  	_ =	shalt  }
0x4e: {  	_ =	shalt  }
0x4f: {  	_ =	shalt  }
0x50: {  	_ =	shalt  }
0x51: {  	_ =	shalt  }
0x52: {  	_ =	shalt  }
0x53: {  	_ =	shalt  }
0x54: {  	_ =	shalt  }
0x55: {  	_ =	shalt  }
0x56: {  	_ =	shalt  }
0x57: {  	_ =	shalt  }
0x58: {  	_ =	shalt  }
0x59: {  	_ =	shalt  }
0x5a: {  	_ =	shalt  }
0x5b: {  	_ =	shalt  }
0x5c: {  	_ =	shalt  }
0x5d: {  	_ =	shalt  }
0x5e: {  	_ =	shalt  }
0x5f: {  	_ =	shalt  }
0x60: {  	_ =	shalt  }
0x61: {  	_ =	shalt  }
0x62: {  	_ =	shalt  }
0x63: {  	_ =	shalt  }
0x64: {  	_ =	shalt  }
0x65: {  	_ =	shalt  }
0x66: {  	_ =	shalt  }
0x67: {  	_ =	shalt  }
0x68: {  	_ =	shalt  }
0x69: {  	_ =	shalt  }
0x6a: {  	_ =	shalt  }
0x6b: {  	_ =	shalt  }
0x6c: {  	_ =	shalt  }
0x6d: {  	_ =	shalt  }
0x6e: {  	_ =	shalt  }
0x6f: {  	_ =	shalt  }
0x70: {  	_ =	shalt  }
0x71: {  	_ =	shalt  }
0x72: {  	_ =	shalt  }
0x73: {  	_ =	shalt  }
0x74: {  	_ =	shalt  }
0x75: {  	_ =	shalt  }
0x76: {  	_ =	shalt  }
0x77: {  	_ =	shalt  }
0x78: {  	_ =	shalt  }
0x79: {  	_ =	shalt  }
0x7a: {  	_ =	shalt  }
0x7b: {  	_ =	shalt  }
0x7c: {  	_ =	shalt  }
0x7d: {  	_ =	shalt  }
0x7e: {  	_ =	shalt  }
0x7f: {  	_ =	shalt  }
0x80: {  	_ =	shalt  }
0x81: {  	_ =	shalt  }
0x82: {  	_ =	shalt  }
0x83: {  	_ =	shalt  }
0x84: {  	_ =	shalt  }
0x85: {  	_ =	shalt  }
0x86: {  	_ =	shalt  }
0x87: {  	_ =	shalt  }
.Lfunc_end0:
.L_simem_size_0:
called_computation.1_lowered:
.L_overlay_start_0:
0x88: {  	s2 =	sld [smem:$0x3FD9]  }
0x89: {  	s3 =	sld [smem:$0x3FFE];
	_ =	sdelay $0x1  }
0x8a: {  	s1 =	srdreg.scid  }
0x8b: {  	s0 =	sand.u32 $0x1, s1  }
0x8c: {  	s17 =	sshll.u32 s0, $0xA;
	s2 =	sadd.s32 s3, s2  }
0x8d: {  	s2 =	sadd.s32 s2, s17  }
0x8e: {  	[smem:$0x3FBC] =	sst s2  }
0x8f: {  	_ = 	snop  }
0x90: {  	s2 =	sld [smem:$0x3FD0];
	(tm) =	ssettm $0x1  }
0x91: {  	s18 =	sld [smem:$0x3FFB];
	_ =	sdelay $0x3  }
0x92: {  	_ =	strace s18  }
0x93: {  	s3 =	sld [smem:$0x3FFC];
	_ =	sdelay $0x3  }
0x94: {  	_ =	strace s3  }
0x95: {  	s3 =	sld [smem:$0x3FFD];
	_ =	sdelay $0x3  }
0x96: {  	_ =	strace s3  }
0x97: {  	_ =	strace $0x8FFFFFFF  }
0x98: {  	s19 =	sld [smem:$0x3FDB];
	_ =	sdelay $0x1  }
0x99: {  	s4 =	simm.s32 $_scs_section_size  }
0x9a: {  	s5 =	simm.s32 $_size__tile_overlayer_lowered;
	s6 =	simm.s32 $_tile_overlayer_lowered  }
0x9b: {  	s22 =	simm.s32 $0x1BFF;
	s21 =	sshll.u32 s6, $0x1;
	s3 =	sadd.s32 s4, s19  }
0x9c: {  	s7 =	simm.s32 $0x0;
	s20 =	sshll.u32 s5, $0x1;
	s5 =	sadd.s32 s21, s3  }
0x9d: {  	[timem:s7], [sflag:s22] =	dma.local [hbm:s5], s20  }
0x9e: {  	_ =	swait.ge [sflag:s22], s20  }
0x9f: {  	s4 =	ssub.s32 $0x0, s20;
	[sflag:s22] =	ssyncset.done $0x0  }
0xa0: {  	[sflag:s22] =	ssyncadd.s32 s4;
	_ =	sdelay $0x1  }
0xa1: {  	s23 =	simm.s32 $0x1B8B  }
0xa2: {  	_ =	swait.ge [sflag:s23], $0x1  }
0xa3: {  	[sflag:s23] =	ssyncset.done $0x0  }
0xa4: {  	s25 =	simm.s32 $0x1B8E;
	s24 =	sld [smem:$0x3FFE];
	[sflag:s23] =	ssyncadd.s32 $0xFFFFFFFF  }
0xa5: {  	s26 =	simm.s32 $execute0_lowered;
	[smem:$0x3FD2] =	sst s25  }
0xa6: {  	s5 =	sshll.u32 s26, $0x1;
	_ =	strace $0x80000046;
	[dreg:$0x1] =	wrdreg $0xFFFFFFFF  }
0xa7: {  	s28 =	simm.s32 $_size_execute0_lowered;
	s3 =	sadd.s32 s3, s5;
	[dreg:$0x0] =	wrdreg $0x0  }
0xa8: {  	s5 =	sshll.u32 s28, $0x1;
	[dreg:$0x2] =	wrdreg s3  }
0xa9: {  	[dreg:$0x3] =	wrdreg s5  }
0xaa: {  	[dreg:$0x4] =	wrdreg $0xC0  }
0xab: {  	_ =	task [dreg:s7], $0x5FFFF  }
0xac: {  	[dreg:$0x1] =	wrdreg $0xFFFFFFFF  }
0xad: {  	[dreg:$0x0] =	wrdreg $0x60  }
0xae: {  	[dreg:$0x2] =	wrdreg s24  }
0xaf: {  	[dreg:$0x3] =	wrdreg s2  }
0xb0: {  	[dreg:$0x4] =	wrdreg $0x9  }
0xb1: {  	_ =	task.clear_ibuf [dreg:s7], $0x5FFFF;
	_ =	strace $0x90000046  }
0xb2: {  	s29 =	simm.s32 $0x9;
	_ =	strace $0x80000048  }
0xb3: {  	_ =	swait.ge [sflag:s29], $0x1  }
0xb4: {  	[sflag:s29] =	ssyncadd.s32 $0xFFFFFFFF  }
0xb5: {  	_ =	strace $0x90000048  }
0xb6: {  	_ =	sfence  }
0xb7: {  	s30 =	sld [smem:$0x0];
	_ =	sdelay $0x2  }
0xb8: {  	s31 =	sshll.u32 s1, $0xD;
	s1 =	sshrl.u32 s1, $0x2  }
0xb9: {  	s3 =	sand.u32 $0x4000, s31;
	s1 =	sadd.s32 s1, s30  }
0xba: {  	s0 =	sor.u32 s3, s0;
	s1 =	sshll.u32 s1, $0x11  }
0xbb: {  	s0 =	sor.u32 s1, s0  }
0xbc: {  	s0 =	sadd.s32 $0x8F2B, s0  }
0xbd: {  	[sflag:s0] =	ssyncadd.remote.s32 $0x1  }
0xbe: {  	_ =	sfence.sel $0xFFFF  }
0xbf: {  	[dreg:$0x0] =	wrdreg $0xFFFFFFFF;
	(pc) =	sbr.abs _section_cstart, $3  }
0xc0: {  	[dreg:$0x1] =	wrdreg $0xFFFFFFFF  }
0xc1: {  	_ =	task.clear_ibuf [dreg:s7], $0x2FFFF;
	_ =	strace $0x9FFFFFFF  }
0xc2: {  	(tm) =	ssettm $0x7FFFFFFF  }
0xc3: {  	_ =	shalt  }
tec
execute0_lowered:
.L_overlay_start_1:
0x0: {  	(tag) =	ssettag $0x1  }
0x1: {  	s0 =	rddreg [dreg:$0x0]  }
0x2: {  	s2 =	rddreg [dreg:$0x1]  }
0x3: {  	s3 =	simm.s32 $0x0;
	s8 =	stileid.u32;
	s4 =	srdreg.scid  }
0x4: {  	s25 =	simm.s32 $0xC00;
	s26 =	simm.s32 $0x4480;
	s30 =	simm.s32 $0x1400  }
0x5: {  	s31 =	simm.s32 $0x4500;
	s10 =	simm.s32 $0x4400;
	s11 =	simm.s32 $0x100  }
0x6: {  	s12 =	simm.s32 $0x180;
	s13 =	simm.s32 $0x1C00;
	s14 =	simm.s32 $0x4580  }
0x7: {  	s15 =	simm.s32 $0x200;
	s16 =	simm.s32 $0x2400;
	s17 =	simm.s32 $0x4600  }
0x8: {  	s18 =	simm.s32 $0x280;
	s19 =	simm.s32 $0x2C00;
	s20 =	simm.s32 $0x4680  }
0x9: {  	s21 =	simm.s32 $0x300;
	s22 =	simm.s32 $0x3400;
	s23 =	simm.s32 $0x4700  }
0xa: {  	s28 =	simm.s32 $0x1;
	s29 =	simm.s32 $0x2;
	[smem:$0x7FF] =	sst s3  }
0xb: {  	s1 =	smul.u32 $0x4100, s8;
	_ =	strace $0x80000047;
	[dreg:$0x5] =	wrdreg s25  }
0xc: {  	s5 =	sand.u32 $0x1, s4;
	s8 =	smul.u32 $0x41000, s8;
	[dreg:$0x6] =	wrdreg s26  }
0xd: {  	s4 =	sadd.s32 $0x27AF000, s0;
	s7 =	smul.u32 $0x2080, s5;
	[dreg:$0x7] =	wrdreg s30  }
0xe: {  	s6 =	ssub.s32 $0x2, s5;
	s5 =	smul.u32 $0x20800, s5;
	[dreg:$0x8] =	wrdreg s31  }
0xf: {  	s25 =	simm.s32 $0x3C00;
	s26 =	simm.s32 $0x4780;
	s9 =	sshrl.u32 s6, $0x1  }
0x10: {  	s1 =	sadd.s32 s1, s0;
	s0 =	sadd.s32 s8, s0;
	s6 =	ssub.s32 s6, s9  }
0x11: {  	s8 =	simm.s32 $0x80;
	s1 =	sadd.s32 s7, s1;
	s6 =	smax.u32 s6, $0x1  }
0x12: {  	s0 =	sadd.s32 s5, s0;
	s24 =	sadd.s32 $0x2C00, s1;
	[dreg:$0x9] =	wrdreg s6  }
0x13: {  	s7 =	simm.s32 $0x3;
	s0 =	sadd.s32 $0x1C3C00, s0;
	[dreg:$0x3] =	wrdreg s24  }
0x14: {  	s9 =	simm.s32 $0x400;
	s1 =	sadd.s32 $0x182C00, s1;
	[dreg:$0xa] =	wrdreg s0  }
0x15: {  	[dreg:$0x4] =	wrdreg s1;
	s24 =	simm.s32 $0x380;
	s1 =	simm.s32 $0x0  }
.LBB2_1:
0x16: {  	s0 =	rddreg [dreg:$0x4]  }
0x17: {  	[dreg:$0xb] =	wrdreg s1;
	s0 =	sadd.s32 $0x0, s0  }
0x18: {  	[tilespmem:s3], [sflag:$0x3] =	stream.linear.gather [hbm4b:s0+s3], $0x400, $0x38;
	[tilespmem:$0x4800] =	vst v63  }
0x19: {  	_ =	swait.ge [sflag:s7], $0x400  }
0x1a: {  	[sflag:s7] =	ssyncset.done $0x0  }
0x1b: {  	[sflag:s7] =	ssyncadd.s32 $0xFFFFFC00  }
0x1c: {  	[tilespmem:s9], [sflag:$0x1] =	stream.indirect.gather [hbm4b:s4+s8], $0x10, s3, s8, $0xb8;
	[tilespmem:$0x4800] =	vst v63  }
0x1d: {  	_ = 	snop  }
0x1e: {  	[tilespmem:s10], [sflag:$0x2] =	stream.indirect.gather [hbm4b:s2+s8], $0x1, s3, s8, $0xb8;
	[tilespmem:$0x4800] =	vst v63  }
0x1f: {  	s6 =	rddreg [dreg:$0x5]  }
0x20: {  	[tilespmem:s6], [sflag:$0x1] =	stream.indirect.gather [hbm4b:s4+s8], $0x10, s8, s8, $0xb8;
	[tilespmem:$0x4800] =	vst v63  }
0x21: {  	s30 =	rddreg [dreg:$0x6]  }
0x22: {  	[tilespmem:s30], [sflag:$0x2] =	stream.indirect.gather [hbm4b:s2+s8], $0x1, s8, s8, $0xb8;
	[tilespmem:$0x4800] =	vst v63  }
0x23: {  	s5 =	rddreg [dreg:$0x7]  }
0x24: {  	[tilespmem:s5], [sflag:$0x1] =	stream.indirect.gather [hbm4b:s4+s8], $0x10, s11, s8, $0xb8;
	[tilespmem:$0x4800] =	vst v63  }
0x25: {  	s6 =	rddreg [dreg:$0x8]  }
0x26: {  	[tilespmem:s6], [sflag:$0x2] =	stream.indirect.gather [hbm4b:s2+s8], $0x1, s11, s8, $0xb8;
	[tilespmem:$0x4800] =	vst v63  }
0x27: {  	_ = 	snop  }
0x28: {  	[tilespmem:s13], [sflag:$0x1] =	stream.indirect.gather [hbm4b:s4+s8], $0x10, s12, s8, $0xb8;
	[tilespmem:$0x4800] =	vst v63  }
0x29: {  	_ = 	snop  }
0x2a: {  	[tilespmem:s14], [sflag:$0x2] =	stream.indirect.gather [hbm4b:s2+s8], $0x1, s12, s8, $0xb8;
	[tilespmem:$0x4800] =	vst v63  }
0x2b: {  	_ = 	snop  }
0x2c: {  	[tilespmem:s16], [sflag:$0x1] =	stream.indirect.gather [hbm4b:s4+s8], $0x10, s15, s8, $0xb8;
	[tilespmem:$0x4800] =	vst v63  }
0x2d: {  	_ = 	snop  }
0x2e: {  	[tilespmem:s17], [sflag:$0x2] =	stream.indirect.gather [hbm4b:s2+s8], $0x1, s15, s8, $0xb8;
	[tilespmem:$0x4800] =	vst v63  }
0x2f: {  	_ = 	snop  }
0x30: {  	[tilespmem:s19], [sflag:$0x1] =	stream.indirect.gather [hbm4b:s4+s8], $0x10, s18, s8, $0xb8;
	[tilespmem:$0x4800] =	vst v63  }
0x31: {  	_ = 	snop  }
0x32: {  	[tilespmem:s20], [sflag:$0x2] =	stream.indirect.gather [hbm4b:s2+s8], $0x1, s18, s8, $0xb8;
	[tilespmem:$0x4800] =	vst v63  }
0x33: {  	_ = 	snop  }
0x34: {  	[tilespmem:s22], [sflag:$0x1] =	stream.indirect.gather [hbm4b:s4+s8], $0x10, s21, s8, $0xb8;
	[tilespmem:$0x4800] =	vst v63  }
0x35: {  	_ = 	snop  }
0x36: {  	[tilespmem:s23], [sflag:$0x2] =	stream.indirect.gather [hbm4b:s2+s8], $0x1, s21, s8, $0xb8;
	[tilespmem:$0x4800] =	vst v63  }
0x37: {  	_ = 	snop  }
0x38: {  	[tilespmem:s25], [sflag:$0x1] =	stream.indirect.gather [hbm4b:s4+s8], $0x10, s24, s8, $0xb8;
	[tilespmem:$0x4800] =	vst v63  }
0x39: {  	_ = 	snop  }
0x3a: {  	[tilespmem:s26], [sflag:$0x2] =	stream.indirect.gather [hbm4b:s2+s8], $0x1, s24, s8, $0xb8;
	[tilespmem:$0x4800] =	vst v63  }
0x3b: {  	_ =	swait.ge [sflag:s28], $0x800  }
0x3c: {  	[sflag:s28] =	ssyncset.done $0x0  }
0x3d: {  	[sflag:s28] =	ssyncadd.s32 $0xFFFFF800  }
0x3e: {  	_ =	swait.ge [sflag:s29], $0x80  }
0x3f: {  	[sflag:s29] =	ssyncset.done $0x0  }
0x40: {  	[sflag:s29] =	ssyncadd.s32 $0xFFFFFF80  }
0x41: {  	_ =	swait.ge [sflag:s28], $0x800  }
0x42: {  	[sflag:s28] =	ssyncset.done $0x0  }
0x43: {  	[sflag:s28] =	ssyncadd.s32 $0xFFFFF800  }
0x44: {  	_ =	swait.ge [sflag:s29], $0x80  }
0x45: {  	[sflag:s29] =	ssyncset.done $0x0  }
0x46: {  	[sflag:s29] =	ssyncadd.s32 $0xFFFFFF80  }
0x47: {  	_ =	swait.ge [sflag:s28], $0x800  }
0x48: {  	[sflag:s28] =	ssyncset.done $0x0  }
0x49: {  	[sflag:s28] =	ssyncadd.s32 $0xFFFFF800  }
0x4a: {  	_ =	swait.ge [sflag:s29], $0x80  }
0x4b: {  	[sflag:s29] =	ssyncset.done $0x0  }
0x4c: {  	[sflag:s29] =	ssyncadd.s32 $0xFFFFFF80  }
0x4d: {  	_ =	swait.ge [sflag:s28], $0x800  }
0x4e: {  	[sflag:s28] =	ssyncset.done $0x0  }
0x4f: {  	[sflag:s28] =	ssyncadd.s32 $0xFFFFF800  }
0x50: {  	_ =	swait.ge [sflag:s29], $0x80  }
0x51: {  	[sflag:s29] =	ssyncset.done $0x0  }
0x52: {  	[sflag:s29] =	ssyncadd.s32 $0xFFFFFF80  }
0x53: {  	_ =	swait.ge [sflag:s28], $0x800  }
0x54: {  	[sflag:s28] =	ssyncset.done $0x0  }
0x55: {  	[sflag:s28] =	ssyncadd.s32 $0xFFFFF800  }
0x56: {  	_ =	swait.ge [sflag:s29], $0x80  }
0x57: {  	[sflag:s29] =	ssyncset.done $0x0  }
0x58: {  	[sflag:s29] =	ssyncadd.s32 $0xFFFFFF80  }
0x59: {  	_ =	swait.ge [sflag:s28], $0x800  }
0x5a: {  	[sflag:s28] =	ssyncset.done $0x0  }
0x5b: {  	[sflag:s28] =	ssyncadd.s32 $0xFFFFF800  }
0x5c: {  	_ =	swait.ge [sflag:s29], $0x80  }
0x5d: {  	[sflag:s29] =	ssyncset.done $0x0  }
0x5e: {  	[sflag:s29] =	ssyncadd.s32 $0xFFFFFF80  }
0x5f: {  	_ =	swait.ge [sflag:s28], $0x800  }
0x60: {  	[sflag:s28] =	ssyncset.done $0x0  }
0x61: {  	[sflag:s28] =	ssyncadd.s32 $0xFFFFF800  }
0x62: {  	_ =	swait.ge [sflag:s29], $0x80  }
0x63: {  	[sflag:s29] =	ssyncset.done $0x0  }
0x64: {  	[sflag:s29] =	ssyncadd.s32 $0xFFFFFF80  }
0x65: {  	_ =	swait.ge [sflag:s28], $0x800  }
0x66: {  	[sflag:s28] =	ssyncset.done $0x0  }
0x67: {  	[sflag:s28] =	ssyncadd.s32 $0xFFFFF800  }
0x68: {  	_ =	swait.ge [sflag:s29], $0x80  }
0x69: {  	[sflag:s29] =	ssyncset.done $0x0  }
0x6a: {  	s6 =	rddreg [dreg:$0xa];
	[sflag:s29] =	ssyncadd.s32 $0xFFFFFF80  }
0x6b: {  	[hbm4b:s6+s3] =	stream.linear.scatter [tilespmem:s9], [sflag:$0x3], $0x4000, $0x38;
	[tilespmem:$0x4800] =	vst v63  }
0x6c: {  	_ =	swait.ge [sflag:s7], $0x4000  }
0x6d: {  	s30 =	rddreg [dreg:$0x3];
	[sflag:s7] =	ssyncset.done $0x0  }
0x6e: {  	[sflag:s7] =	ssyncadd.s32 $0xFFFFC000;
	s0 =	sadd.s32 $0x0, s30  }
0x6f: {  	[hbm4b:s0+s3] =	stream.linear.scatter [tilespmem:s10], [sflag:$0x3], $0x400, $0x38;
	[tilespmem:$0x4800] =	vst v63  }
0x70: {  	s31 =	simm.s32 $0x80;
	_ =	swait.ge [sflag:s7], $0x400  }
0x71: {  	s1 =	simm.s32 $0x100;
	s0 =	rddreg [dreg:$0x4];
	[sflag:s7] =	ssyncset.done $0x0  }
.LBB2_2:
0x72: {  	[sflag:s7] =	ssyncadd.s32 $0xFFFFFC00;
	s0 =	sadd.s32 s31, s0  }
0x73: {  	[tilespmem:s3], [sflag:$0x3] =	stream.linear.gather [hbm4b:s0+s3], $0x400, $0x38;
	[tilespmem:$0x4800] =	vst v63  }
0x74: {  	_ =	swait.ge [sflag:s7], $0x400  }
0x75: {  	[sflag:s7] =	ssyncset.done $0x0  }
0x76: {  	[sflag:s7] =	ssyncadd.s32 $0xFFFFFC00  }
0x77: {  	[tilespmem:s9], [sflag:$0x1] =	stream.indirect.gather [hbm4b:s4+s8], $0x10, s3, s8, $0xb8;
	[tilespmem:$0x4800] =	vst v63  }
0x78: {  	_ = 	snop  }
0x79: {  	[tilespmem:s10], [sflag:$0x2] =	stream.indirect.gather [hbm4b:s2+s8], $0x1, s3, s8, $0xb8;
	[tilespmem:$0x4800] =	vst v63  }
0x7a: {  	s0 =	rddreg [dreg:$0x5]  }
0x7b: {  	[tilespmem:s0], [sflag:$0x1] =	stream.indirect.gather [hbm4b:s4+s8], $0x10, s8, s8, $0xb8;
	[tilespmem:$0x4800] =	vst v63  }
0x7c: {  	s30 =	rddreg [dreg:$0x6]  }
0x7d: {  	[tilespmem:s30], [sflag:$0x2] =	stream.indirect.gather [hbm4b:s2+s8], $0x1, s8, s8, $0xb8;
	[tilespmem:$0x4800] =	vst v63  }
0x7e: {  	s0 =	rddreg [dreg:$0x7]  }
0x7f: {  	[tilespmem:s0], [sflag:$0x1] =	stream.indirect.gather [hbm4b:s4+s8], $0x10, s11, s8, $0xb8;
	[tilespmem:$0x4800] =	vst v63  }
0x80: {  	s30 =	rddreg [dreg:$0x8]  }
0x81: {  	[tilespmem:s30], [sflag:$0x2] =	stream.indirect.gather [hbm4b:s2+s8], $0x1, s11, s8, $0xb8;
	[tilespmem:$0x4800] =	vst v63  }
0x82: {  	_ = 	snop  }
0x83: {  	[tilespmem:s13], [sflag:$0x1] =	stream.indirect.gather [hbm4b:s4+s8], $0x10, s12, s8, $0xb8;
	[tilespmem:$0x4800] =	vst v63  }
0x84: {  	_ = 	snop  }
0x85: {  	[tilespmem:s14], [sflag:$0x2] =	stream.indirect.gather [hbm4b:s2+s8], $0x1, s12, s8, $0xb8;
	[tilespmem:$0x4800] =	vst v63  }
0x86: {  	_ = 	snop  }
0x87: {  	[tilespmem:s16], [sflag:$0x1] =	stream.indirect.gather [hbm4b:s4+s8], $0x10, s15, s8, $0xb8;
	[tilespmem:$0x4800] =	vst v63  }
0x88: {  	_ = 	snop  }
0x89: {  	[tilespmem:s17], [sflag:$0x2] =	stream.indirect.gather [hbm4b:s2+s8], $0x1, s15, s8, $0xb8;
	[tilespmem:$0x4800] =	vst v63  }
0x8a: {  	_ = 	snop  }
0x8b: {  	[tilespmem:s19], [sflag:$0x1] =	stream.indirect.gather [hbm4b:s4+s8], $0x10, s18, s8, $0xb8;
	[tilespmem:$0x4800] =	vst v63  }
0x8c: {  	_ = 	snop  }
0x8d: {  	[tilespmem:s20], [sflag:$0x2] =	stream.indirect.gather [hbm4b:s2+s8], $0x1, s18, s8, $0xb8;
	[tilespmem:$0x4800] =	vst v63  }
0x8e: {  	_ = 	snop  }
0x8f: {  	[tilespmem:s22], [sflag:$0x1] =	stream.indirect.gather [hbm4b:s4+s8], $0x10, s21, s8, $0xb8;
	[tilespmem:$0x4800] =	vst v63  }
0x90: {  	_ = 	snop  }
0x91: {  	[tilespmem:s23], [sflag:$0x2] =	stream.indirect.gather [hbm4b:s2+s8], $0x1, s21, s8, $0xb8;
	[tilespmem:$0x4800] =	vst v63  }
0x92: {  	_ = 	snop  }
0x93: {  	[tilespmem:s25], [sflag:$0x1] =	stream.indirect.gather [hbm4b:s4+s8], $0x10, s24, s8, $0xb8;
	[tilespmem:$0x4800] =	vst v63  }
0x94: {  	_ = 	snop  }
0x95: {  	[tilespmem:s26], [sflag:$0x2] =	stream.indirect.gather [hbm4b:s2+s8], $0x1, s24, s8, $0xb8;
	[tilespmem:$0x4800] =	vst v63  }
0x96: {  	_ =	swait.ge [sflag:s28], $0x800  }
0x97: {  	[sflag:s28] =	ssyncset.done $0x0  }
0x98: {  	[sflag:s28] =	ssyncadd.s32 $0xFFFFF800  }
0x99: {  	_ =	swait.ge [sflag:s29], $0x80  }
0x9a: {  	[sflag:s29] =	ssyncset.done $0x0  }
0x9b: {  	[sflag:s29] =	ssyncadd.s32 $0xFFFFFF80  }
0x9c: {  	_ =	swait.ge [sflag:s28], $0x800  }
0x9d: {  	[sflag:s28] =	ssyncset.done $0x0  }
0x9e: {  	[sflag:s28] =	ssyncadd.s32 $0xFFFFF800  }
0x9f: {  	_ =	swait.ge [sflag:s29], $0x80  }
0xa0: {  	[sflag:s29] =	ssyncset.done $0x0  }
0xa1: {  	[sflag:s29] =	ssyncadd.s32 $0xFFFFFF80  }
0xa2: {  	_ =	swait.ge [sflag:s28], $0x800  }
0xa3: {  	[sflag:s28] =	ssyncset.done $0x0  }
0xa4: {  	[sflag:s28] =	ssyncadd.s32 $0xFFFFF800  }
0xa5: {  	_ =	swait.ge [sflag:s29], $0x80  }
0xa6: {  	[sflag:s29] =	ssyncset.done $0x0  }
0xa7: {  	[sflag:s29] =	ssyncadd.s32 $0xFFFFFF80  }
0xa8: {  	_ =	swait.ge [sflag:s28], $0x800  }
0xa9: {  	[sflag:s28] =	ssyncset.done $0x0  }
0xaa: {  	[sflag:s28] =	ssyncadd.s32 $0xFFFFF800  }
0xab: {  	_ =	swait.ge [sflag:s29], $0x80  }
0xac: {  	[sflag:s29] =	ssyncset.done $0x0  }
0xad: {  	[sflag:s29] =	ssyncadd.s32 $0xFFFFFF80  }
0xae: {  	_ =	swait.ge [sflag:s28], $0x800  }
0xaf: {  	[sflag:s28] =	ssyncset.done $0x0  }
0xb0: {  	[sflag:s28] =	ssyncadd.s32 $0xFFFFF800  }
0xb1: {  	_ =	swait.ge [sflag:s29], $0x80  }
0xb2: {  	[sflag:s29] =	ssyncset.done $0x0  }
0xb3: {  	[sflag:s29] =	ssyncadd.s32 $0xFFFFFF80  }
0xb4: {  	_ =	swait.ge [sflag:s28], $0x800  }
0xb5: {  	[sflag:s28] =	ssyncset.done $0x0  }
0xb6: {  	[sflag:s28] =	ssyncadd.s32 $0xFFFFF800  }
0xb7: {  	_ =	swait.ge [sflag:s29], $0x80  }
0xb8: {  	[sflag:s29] =	ssyncset.done $0x0  }
0xb9: {  	[sflag:s29] =	ssyncadd.s32 $0xFFFFFF80  }
0xba: {  	_ =	swait.ge [sflag:s28], $0x800  }
0xbb: {  	[sflag:s28] =	ssyncset.done $0x0  }
0xbc: {  	[sflag:s28] =	ssyncadd.s32 $0xFFFFF800  }
0xbd: {  	_ =	swait.ge [sflag:s29], $0x80  }
0xbe: {  	[sflag:s29] =	ssyncset.done $0x0  }
0xbf: {  	[sflag:s29] =	ssyncadd.s32 $0xFFFFFF80  }
0xc0: {  	_ =	swait.ge [sflag:s28], $0x800  }
0xc1: {  	[sflag:s28] =	ssyncset.done $0x0  }
0xc2: {  	[sflag:s28] =	ssyncadd.s32 $0xFFFFF800  }
0xc3: {  	_ =	swait.ge [sflag:s29], $0x80  }
0xc4: {  	[sflag:s29] =	ssyncset.done $0x0  }
0xc5: {  	s6 =	sadd.s32 $0x800, s6;
	[sflag:s29] =	ssyncadd.s32 $0xFFFFFF80  }
0xc6: {  	[hbm4b:s6+s3] =	stream.linear.scatter [tilespmem:s9], [sflag:$0x3], $0x4000, $0x38;
	[tilespmem:$0x4800] =	vst v63  }
0xc7: {  	p0 =	sne.s32 s1, $0x2000;
	_ =	swait.ge [sflag:s7], $0x4000  }
.Ltmp0:
0xc8: {  	s30 =	rddreg [dreg:$0x3];
	[sflag:s7] =	ssyncset.done $0x0;
	(pc) =	sbr.rel @p0 .LBB2_2-.Ltmp0, $4  }
0xc9: {  	[sflag:s7] =	ssyncadd.s32 $0xFFFFC000;
	s0 =	sadd.s32 s31, s30  }
0xca: {  	[hbm4b:s0+s3] =	stream.linear.scatter [tilespmem:s10], [sflag:$0x3], $0x400, $0x38;
	[tilespmem:$0x4800] =	vst v63  }
0xcb: {  	s5 =	smov.u32 s1;
	s1 =	sadd.s32 $0x80, s1;
	_ =	swait.ge [sflag:s7], $0x400  }
0xcc: {  	s31 =	smov.u32 s5;
	s0 =	rddreg [dreg:$0x4];
	[sflag:s7] =	ssyncset.done $0x0  }
0xcd: {  	[sflag:s7] =	ssyncadd.s32 $0xFFFFFC00;
	s0 =	sadd.s32 s31, s0  }
0xce: {  	[tilespmem:s3], [sflag:$0x3] =	stream.linear.gather [hbm4b:s0+s3], $0x400, $0x38;
	[tilespmem:$0x4800] =	vst v63  }
0xcf: {  	_ =	swait.ge [sflag:s7], $0x400  }
0xd0: {  	[sflag:s7] =	ssyncset.done $0x0  }
0xd1: {  	[sflag:s7] =	ssyncadd.s32 $0xFFFFFC00  }
0xd2: {  	[tilespmem:s9], [sflag:$0x1] =	stream.indirect.gather [hbm4b:s4+s8], $0x10, s3, s8, $0xb8;
	[tilespmem:$0x4800] =	vst v63  }
0xd3: {  	_ = 	snop  }
0xd4: {  	[tilespmem:s10], [sflag:$0x2] =	stream.indirect.gather [hbm4b:s2+s8], $0x1, s3, s8, $0xb8;
	[tilespmem:$0x4800] =	vst v63  }
0xd5: {  	s30 =	rddreg [dreg:$0x5]  }
0xd6: {  	[tilespmem:s30], [sflag:$0x1] =	stream.indirect.gather [hbm4b:s4+s8], $0x10, s8, s8, $0xb8;
	[tilespmem:$0x4800] =	vst v63  }
0xd7: {  	s1 =	rddreg [dreg:$0x6]  }
0xd8: {  	[tilespmem:s1], [sflag:$0x2] =	stream.indirect.gather [hbm4b:s2+s8], $0x1, s8, s8, $0xb8;
	[tilespmem:$0x4800] =	vst v63  }
0xd9: {  	s5 =	rddreg [dreg:$0x7]  }
0xda: {  	[tilespmem:s5], [sflag:$0x1] =	stream.indirect.gather [hbm4b:s4+s8], $0x10, s11, s8, $0xb8;
	[tilespmem:$0x4800] =	vst v63  }
0xdb: {  	s30 =	rddreg [dreg:$0x8]  }
0xdc: {  	[tilespmem:s30], [sflag:$0x2] =	stream.indirect.gather [hbm4b:s2+s8], $0x1, s11, s8, $0xb8;
	[tilespmem:$0x4800] =	vst v63  }
0xdd: {  	_ = 	snop  }
0xde: {  	[tilespmem:s13], [sflag:$0x1] =	stream.indirect.gather [hbm4b:s4+s8], $0x10, s12, s8, $0xb8;
	[tilespmem:$0x4800] =	vst v63  }
0xdf: {  	_ = 	snop  }
0xe0: {  	[tilespmem:s14], [sflag:$0x2] =	stream.indirect.gather [hbm4b:s2+s8], $0x1, s12, s8, $0xb8;
	[tilespmem:$0x4800] =	vst v63  }
0xe1: {  	_ = 	snop  }
0xe2: {  	[tilespmem:s16], [sflag:$0x1] =	stream.indirect.gather [hbm4b:s4+s8], $0x10, s15, s8, $0xb8;
	[tilespmem:$0x4800] =	vst v63  }
0xe3: {  	_ = 	snop  }
0xe4: {  	[tilespmem:s17], [sflag:$0x2] =	stream.indirect.gather [hbm4b:s2+s8], $0x1, s15, s8, $0xb8;
	[tilespmem:$0x4800] =	vst v63  }
0xe5: {  	_ = 	snop  }
0xe6: {  	[tilespmem:s19], [sflag:$0x1] =	stream.indirect.gather [hbm4b:s4+s8], $0x10, s18, s8, $0xb8;
	[tilespmem:$0x4800] =	vst v63  }
0xe7: {  	_ = 	snop  }
0xe8: {  	[tilespmem:s20], [sflag:$0x2] =	stream.indirect.gather [hbm4b:s2+s8], $0x1, s18, s8, $0xb8;
	[tilespmem:$0x4800] =	vst v63  }
0xe9: {  	_ = 	snop  }
0xea: {  	[tilespmem:s22], [sflag:$0x1] =	stream.indirect.gather [hbm4b:s4+s8], $0x10, s21, s8, $0xb8;
	[tilespmem:$0x4800] =	vst v63  }
0xeb: {  	_ = 	snop  }
0xec: {  	[tilespmem:s23], [sflag:$0x2] =	stream.indirect.gather [hbm4b:s2+s8], $0x1, s21, s8, $0xb8;
	[tilespmem:$0x4800] =	vst v63  }
0xed: {  	_ = 	snop  }
0xee: {  	[tilespmem:s25], [sflag:$0x1] =	stream.indirect.gather [hbm4b:s4+s8], $0x10, s24, s8, $0xb8;
	[tilespmem:$0x4800] =	vst v63  }
0xef: {  	_ = 	snop  }
0xf0: {  	[tilespmem:s26], [sflag:$0x2] =	stream.indirect.gather [hbm4b:s2+s8], $0x1, s24, s8, $0xb8;
	[tilespmem:$0x4800] =	vst v63  }
0xf1: {  	_ =	swait.ge [sflag:s28], $0x800  }
0xf2: {  	[sflag:s28] =	ssyncset.done $0x0  }
0xf3: {  	[sflag:s28] =	ssyncadd.s32 $0xFFFFF800  }
0xf4: {  	_ =	swait.ge [sflag:s29], $0x80  }
0xf5: {  	[sflag:s29] =	ssyncset.done $0x0  }
0xf6: {  	[sflag:s29] =	ssyncadd.s32 $0xFFFFFF80  }
0xf7: {  	_ =	swait.ge [sflag:s28], $0x800  }
0xf8: {  	[sflag:s28] =	ssyncset.done $0x0  }
0xf9: {  	[sflag:s28] =	ssyncadd.s32 $0xFFFFF800  }
0xfa: {  	_ =	swait.ge [sflag:s29], $0x80  }
0xfb: {  	[sflag:s29] =	ssyncset.done $0x0  }
0xfc: {  	[sflag:s29] =	ssyncadd.s32 $0xFFFFFF80  }
0xfd: {  	_ =	swait.ge [sflag:s28], $0x800  }
0xfe: {  	[sflag:s28] =	ssyncset.done $0x0  }
0xff: {  	[sflag:s28] =	ssyncadd.s32 $0xFFFFF800  }
0x100: {  	_ =	swait.ge [sflag:s29], $0x80  }
0x101: {  	[sflag:s29] =	ssyncset.done $0x0  }
0x102: {  	[sflag:s29] =	ssyncadd.s32 $0xFFFFFF80  }
0x103: {  	_ =	swait.ge [sflag:s28], $0x800  }
0x104: {  	[sflag:s28] =	ssyncset.done $0x0  }
0x105: {  	[sflag:s28] =	ssyncadd.s32 $0xFFFFF800  }
0x106: {  	_ =	swait.ge [sflag:s29], $0x80  }
0x107: {  	[sflag:s29] =	ssyncset.done $0x0  }
0x108: {  	[sflag:s29] =	ssyncadd.s32 $0xFFFFFF80  }
0x109: {  	_ =	swait.ge [sflag:s28], $0x800  }
0x10a: {  	[sflag:s28] =	ssyncset.done $0x0  }
0x10b: {  	[sflag:s28] =	ssyncadd.s32 $0xFFFFF800  }
0x10c: {  	_ =	swait.ge [sflag:s29], $0x80  }
0x10d: {  	[sflag:s29] =	ssyncset.done $0x0  }
0x10e: {  	[sflag:s29] =	ssyncadd.s32 $0xFFFFFF80  }
0x10f: {  	_ =	swait.ge [sflag:s28], $0x800  }
0x110: {  	[sflag:s28] =	ssyncset.done $0x0  }
0x111: {  	[sflag:s28] =	ssyncadd.s32 $0xFFFFF800  }
0x112: {  	_ =	swait.ge [sflag:s29], $0x80  }
0x113: {  	[sflag:s29] =	ssyncset.done $0x0  }
0x114: {  	[sflag:s29] =	ssyncadd.s32 $0xFFFFFF80  }
0x115: {  	_ =	swait.ge [sflag:s28], $0x800  }
0x116: {  	[sflag:s28] =	ssyncset.done $0x0  }
0x117: {  	[sflag:s28] =	ssyncadd.s32 $0xFFFFF800  }
0x118: {  	_ =	swait.ge [sflag:s29], $0x80  }
0x119: {  	[sflag:s29] =	ssyncset.done $0x0  }
0x11a: {  	[sflag:s29] =	ssyncadd.s32 $0xFFFFFF80  }
0x11b: {  	_ =	swait.ge [sflag:s28], $0x800  }
0x11c: {  	[sflag:s28] =	ssyncset.done $0x0  }
0x11d: {  	[sflag:s28] =	ssyncadd.s32 $0xFFFFF800  }
0x11e: {  	_ =	swait.ge [sflag:s29], $0x80  }
0x11f: {  	[sflag:s29] =	ssyncset.done $0x0  }
0x120: {  	s5 =	sadd.s32 $0x800, s6;
	[sflag:s29] =	ssyncadd.s32 $0xFFFFFF80  }
0x121: {  	[hbm4b:s5+s3] =	stream.linear.scatter [tilespmem:s9], [sflag:$0x3], $0x4000, $0x38;
	[tilespmem:$0x4800] =	vst v63  }
0x122: {  	_ =	swait.ge [sflag:s7], $0x4000  }
0x123: {  	s6 =	rddreg [dreg:$0x3];
	[sflag:s7] =	ssyncset.done $0x0  }
0x124: {  	s0 =	sadd.s32 s31, s6;
	[sflag:s7] =	ssyncadd.s32 $0xFFFFC000  }
0x125: {  	[hbm4b:s0+s3] =	stream.linear.scatter [tilespmem:s10], [sflag:$0x3], $0x400, $0x38;
	[tilespmem:$0x4800] =	vst v63  }
0x126: {  	_ =	swait.ge [sflag:s7], $0x400  }
0x127: {  	s30 =	rddreg [dreg:$0xb]  }
0x128: {  	s31 =	rddreg [dreg:$0x9];
	s1 =	sadd.s32 $0x1, s30  }
0x129: {  	p0 =	sne.s32 s1, s31  }
.Ltmp1:
0x12a: {  	_ = 	snop;
	(pc) =	sbr.rel @p0 .LBB2_1-.Ltmp1, $3  }
0x12b: {  	_ =	sdelay $0x1  }
0x12c: {  	[sflag:s7] =	ssyncset.done $0x0  }
0x12d: {  	[sflag:s7] =	ssyncadd.s32 $0xFFFFFC00  }
0x12e: {  	_ =	sfence.sel $0x180000  }
0x12f: {  	[bflag:$0x0] =	sbarrier.arrive $0xFFFF  }
0x130: {  	_ =	strace $0x90000047  }
0x131: {  	s0 =	stileid.u32;
	[bflag:$0x2] =	sbarrier.arrive $0xFFFF  }
0x132: {  	p0 =	sne.s32 s0, $0x0;
	s0 =	rddreg [dreg:$0x2]  }
0x133: {  	s0 =	sadd.s32 @!p0 $0x100000, s0  }
0x134: {  	[sflag:s0] =	ssyncadd.tile.s32 @!p0 $0x1;
	_ =	shalt  }
.Lfunc_end2:
_tile_overlayer_lowered:
.L_overlay_start_2:
0x135: {  	(tag) =	ssettag $0x2  }
0x136: {  	s0 =	rddreg [dreg:$0x0];
	s2 =	stileid.u32  }
0x137: {  	s1 =	rddreg [dreg:$0x1];
	p0 =	sne.s32 s2, $0x0  }
0x138: {  	s3 =	rddreg [dreg:$0x2];
	[bflag:$0x3] =	sbarrier.arrive $0xFFFF;
	s2 =	simm.s32 @!p0 $0x1C03  }
0x139: {  	[timem:s3], [sflag:s2] =	dma.local @!p0 [hbm:s0], s1  }
0x13a: {  	s0 =	simm.s32 @!p0 $0x3  }
0x13b: {  	_ =	swait.ge @!p0 [sflag:s0], s1  }
0x13c: {  	s1 =	ssub.s32 @!p0 $0x0, s1;
	[sflag:s0] =	ssyncset.done @!p0 $0x0  }
0x13d: {  	[sflag:s0] =	ssyncadd.s32 @!p0 s1  }
0x13e: {  	[bflag:$0x3] =	sbarrier.arrive $0xFFFF  }
0x13f: {  	_ =	shalt  }

// kernel: sparse-core-data-format-call.cloned.1.call-start
scs
called_computation_lowered:
.L_overlay_start_0:
0x0: {  	s2 =	sld [smem:$0x3FD9]  }
0x1: {  	s3 =	sld [smem:$0x3FFE];
	_ =	sdelay $0x1  }
0x2: {  	s1 =	srdreg.scid  }
0x3: {  	s0 =	sand.u32 $0x1, s1  }
0x4: {  	s18 =	sshll.u32 s0, $0xA;
	s2 =	sadd.s32 s3, s2  }
0x5: {  	s2 =	sadd.s32 s2, s18  }
0x6: {  	[smem:$0x3FBC] =	sst s2  }
0x7: {  	_ = 	snop  }
0x8: {  	s2 =	sld [smem:$0x3FD0];
	(tm) =	ssettm $0x1  }
0x9: {  	s19 =	sld [smem:$0x3FFB];
	_ =	sdelay $0x3  }
0xa: {  	_ =	strace s19  }
0xb: {  	s3 =	sld [smem:$0x3FFC];
	_ =	sdelay $0x3  }
0xc: {  	_ =	strace s3  }
0xd: {  	s3 =	sld [smem:$0x3FFD];
	_ =	sdelay $0x3  }
0xe: {  	_ =	strace s3  }
0xf: {  	_ =	strace $0x8FFFFFFF  }
0x10: {  	s20 =	sld [smem:$0x3FDB];
	_ =	sdelay $0x1  }
0x11: {  	s4 =	simm.s32 $_scs_section_size  }
0x12: {  	s5 =	simm.s32 $_size__tile_overlayer_lowered;
	s6 =	simm.s32 $_tile_overlayer_lowered  }
0x13: {  	s23 =	simm.s32 $0x1BFF;
	s22 =	sshll.u32 s6, $0x1;
	s3 =	sadd.s32 s4, s20  }
0x14: {  	s7 =	simm.s32 $0x0;
	s21 =	sshll.u32 s5, $0x1;
	s5 =	sadd.s32 s22, s3  }
0x15: {  	[timem:s7], [sflag:s23] =	dma.local [hbm:s5], s21  }
0x16: {  	_ =	swait.ge [sflag:s23], s21  }
0x17: {  	s4 =	ssub.s32 $0x0, s21;
	[sflag:s23] =	ssyncset.done $0x0  }
0x18: {  	[sflag:s23] =	ssyncadd.s32 s4;
	_ =	sdelay $0x1  }
0x19: {  	s24 =	simm.s32 $0x1B8B  }
0x1a: {  	_ =	swait.ge [sflag:s24], $0x1  }
0x1b: {  	[sflag:s24] =	ssyncset.done $0x0  }
0x1c: {  	s26 =	simm.s32 $0x1B8E;
	s25 =	sld [smem:$0x3FFE];
	[sflag:s24] =	ssyncadd.s32 $0xFFFFFFFF  }
0x1d: {  	s27 =	simm.s32 $execute0_lowered;
	[smem:$0x3FD2] =	sst s26  }
0x1e: {  	s5 =	sshll.u32 s27, $0x1;
	_ =	strace $0x80000049;
	[dreg:$0x1] =	wrdreg $0xFFFFFFFF  }
0x1f: {  	s28 =	simm.s32 $_size_execute0_lowered;
	s3 =	sadd.s32 s3, s5;
	[dreg:$0x0] =	wrdreg $0x0  }
0x20: {  	s5 =	sshll.u32 s28, $0x1;
	[dreg:$0x2] =	wrdreg s3  }
0x21: {  	[dreg:$0x3] =	wrdreg s5  }
0x22: {  	[dreg:$0x4] =	wrdreg $0xC0  }
0x23: {  	_ =	task [dreg:s7], $0x5FFFF  }
0x24: {  	[dreg:$0x1] =	wrdreg $0xFFFFFFFF  }
0x25: {  	[dreg:$0x0] =	wrdreg $0x60  }
0x26: {  	[dreg:$0x2] =	wrdreg s25  }
0x27: {  	[dreg:$0x3] =	wrdreg s2  }
0x28: {  	[dreg:$0x4] =	wrdreg $0x9  }
0x29: {  	_ =	task.clear_ibuf [dreg:s7], $0x5FFFF;
	_ =	strace $0x90000049  }
0x2a: {  	s29 =	simm.s32 $0x9;
	_ =	strace $0x8000004B  }
0x2b: {  	_ =	swait.ge [sflag:s29], $0x1  }
0x2c: {  	[sflag:s29] =	ssyncadd.s32 $0xFFFFFFFF  }
0x2d: {  	_ =	strace $0x9000004B  }
0x2e: {  	_ =	sfence  }
0x2f: {  	s30 =	sld [smem:$0x0];
	_ =	sdelay $0x2  }
0x30: {  	s31 =	sshll.u32 s1, $0xD;
	s1 =	sshrl.u32 s1, $0x2  }
0x31: {  	s3 =	sand.u32 $0x4000, s31;
	s1 =	sadd.s32 s1, s30  }
0x32: {  	s0 =	sor.u32 s3, s0;
	s1 =	sshll.u32 s1, $0x11  }
0x33: {  	s0 =	sor.u32 s1, s0  }
0x34: {  	s0 =	sadd.s32 $0x8F2B, s0  }
0x35: {  	[sflag:s0] =	ssyncadd.remote.s32 $0x1  }
0x36: {  	_ =	sfence.sel $0xFFFF  }
0x37: {  	[dreg:$0x0] =	wrdreg $0xFFFFFFFF;
	(pc) =	sbr.abs _section_cstart, $3  }
0x38: {  	[dreg:$0x1] =	wrdreg $0xFFFFFFFF  }
0x39: {  	_ =	task.clear_ibuf [dreg:s7], $0x2FFFF;
	_ =	strace $0x9FFFFFFF  }
0x3a: {  	(tm) =	ssettm $0x7FFFFFFF  }
0x3b: {  	_ =	shalt  }
tec
execute0_lowered:
.L_overlay_start_1:
0x0: {  	(tag) =	ssettag $0x1  }
0x1: {  	s0 =	srdreg.scid  }
0x2: {  	s1 =	sshll.u32 s0, $0x4  }
0x3: {  	s0 =	stileid.u32;
	s1 =	sand.u32 $0x10, s1  }
0x4: {  	s6 =	rddreg [dreg:$0x0];
	s1 =	sor.u32 s0, s1  }
0x5: {  	s4 =	simm.s32 $0x1;
	s7 =	simm.s32 $0x2;
	s2 =	sshll.u32 s1, $0x5  }
0x6: {  	s14 =	simm.s32 $0x0;
	s8 =	simm.s32 $0x1000;
	s1 =	ssub.s32 $0x1000, s2  }
0x7: {  	s9 =	simm.s32 $0x80000;
	s10 =	simm.s32 $0x0;
	s3 =	sand.u32 $0x3E0, s1  }
0x8: {  	s15 =	simm.s32 $0x0;
	s5 =	sshrl.u32 s1, $0xA;
	p0 =	sne.s32 s3, $0x0  }
.Ltmp0:
0x9: {  	s1 =	rddreg [dreg:$0x2];
	s4 =	simm.s32 @!p0 $0x0;
	(pc) =	sbr.rel .LBB1_1-.Ltmp0, $4  }
0xa: {  	s11 =	simm.s32 $0x0;
	s3 =	rddreg [dreg:$0x1];
	s5 =	sadd.s32 s4, s5  }
0xb: {  	_ =	strace $0x8000004A;
	s4 =	simm.s32 $0x1;
	s5 =	smul.u32 $0x5, s5  }
0xc: {  	s13 =	simm.s32 $0x0;
	s6 =	sadd.s32 $0x183E00, s6;
	[sflag:s4] =	ssyncpa.u1 $0x0  }
0xd: {  	s12 =	smov.u32 s2;
	[sflag:s7] =	ssyncpa.u1 $0x0;
	s7 =	sadd.s32 $0x1, s5  }
.LBB1_7:
0xe: {  	s16 =	sadd.s32 $0x4, s11  }
0xf: {  	s14 =	sadd.s32 $0x400, s12;
	s18 =	smov.u32 s12;
	p1 =	sgt.s32 s16, $0x13  }
0x10: {  	s18 =	smov.u32 @p1 s14  }
0x11: {  	s16 =	simm.s32 @p1 $0x0;
	p1 =	sgt.s32 s18, $0xFFF  }
0x12: {  	s18 =	smov.u32 @p1 s2;
	p1 =	sne.s32 s13, s7  }
.Ltmp1:
0x13: {  	p0 =	slt.u32 s13, $0x2;
	(pc) =	sbr.rel @!p1 .LBB1_8-.Ltmp1, $4  }
0x14: {  	s17 =	simm.s32 @!p0 $0x2  }
0x15: {  	s15 =	smov.u32 s12;
	s10 =	sadd.s32 $0x4000, s10;
	_ =	swait.ge @!p0 [sflag:s17], $0x4000  }
0x16: {  	s14 =	smov.u32 s11;
	[sflag:s17] =	ssyncset.done @!p0 $0x0;
	s11 =	smov.u32 s16  }
0x17: {  	s13 =	sadd.s32 $0x1, s13;
	[sflag:s17] =	ssyncadd.s32 @!p0 $0xFFFFC000;
	s12 =	smov.u32 s18  }
.LBB1_1:
0x18: {  	p0 =	sge.u32 s13, s5  }
0x19: {  	s16 =	sand.u32 @!p0 $0x1FFFFFF, s11  }
0x1a: {  	s17 =	smulhi.u32 @!p0 $0xAAAAAAB, s16;
	_ =	sdelay $0x1  }
0x1b: {  	s17 =	smul.u32 @!p0 $0x18, s17  }
0x1c: {  	s18 =	sxor.u32 @!p0 $0xFFFFFFFF, s13;
	s19 =	smul.u32 @!p0 $0x180, s12  }
0x1d: {  	s31 =	sadd.s32 $0xFFFFFFFF, s13;
	s18 =	sshll.u32 @!p0 s18, $0xE;
	s16 =	ssub.s32 @!p0 s16, s17  }
0x1e: {  	s17 =	sand.u32 @!p0 $0x4000, s18;
	s18 =	sadd.s32 @!p0 s6, s19;
	s16 =	sshll.u32 @!p0 s16, $0x4  }
0x1f: {  	s19 =	simm.s32 @!p0 $0xC00;
	s16 =	sadd.s32 @!p0 s16, s18;
	s18 =	simm.s32 @!p0 $0x200  }
0x20: {  	[tilespmem:s17], [sflag:$0x1] =	stream.strided.gather @!p0 [hbm4b:s16+s18], $0x4000, s19, s18, $0x38;
	[tilespmem:$0x10000] =	vst v63  }
0x21: {  	p0 =	sge.u32 s31, s5  }
.Ltmp2:
0x22: {  	_ = 	snop;
	(pc) =	sbr.rel @p0 .LBB1_7-.Ltmp2, $1  }
0x23: {  	_ =	sdelay $0x3  }
0x24: {  	s17 =	sand.u32 $0x4000, s10  }
0x25: {  	_ =	swait.ge [sflag:s4], $0x4000;
	s19 =	sshll.u32 s13, $0xE;
	s16 =	sor.u32 $0x8040, s17  }
0x26: {  	s18 =	sor.u32 $0x40, s17;
	[sflag:s4] =	ssyncset.done $0x0;
	s31 =	sand.u32 $0x4000, s19  }
0x27: {  	s19 =	simm.s32 $0x0;
	[sflag:s4] =	ssyncadd.s32 $0xFFFFC000;
	s17 =	sor.u32 $0x8000, s31  }
.LBB1_3:
0x28: {  	v0 =	vmov s18;
	_ =	sdelay $0x3  }
0x29: {  	s21 =	simm.s32 $0x0  }
0x2a: {  	v6 =	vld.idx.msk [tilespmem:v0+s21+$0x30 ss:$0x1], $0xffff  }
0x2b: {  	v7 =	vld.idx.msk [tilespmem:v0+s21+$0xFFFFFFC0 ss:$0x1], $0xffff  }
0x2c: {  	v5 =	vld.idx.msk [tilespmem:v0+s21+$0xFFFFFFD0 ss:$0x1], $0xffff  }
0x2d: {  	v4 =	vld.idx.msk [tilespmem:v0+s21+$0xFFFFFFE0 ss:$0x1], $0xffff  }
0x2e: {  	v3 =	vld.idx.msk [tilespmem:v0+s21+$0xFFFFFFF0 ss:$0x1], $0xffff  }
0x2f: {  	v1 =	vld.idx.msk [tilespmem:v0+s21+$0x0 ss:$0x1], $0xffff  }
0x30: {  	v2 =	vld.idx.msk [tilespmem:v0+s21+$0x10 ss:$0x1], $0xffff;
	[tilespmem:s16+$0x30] =	vst v6  }
0x31: {  	s20 =	simm.s32 $0x80;
	s22 =	simm.s32 $0x400;
	[tilespmem:s16+$0xFFFFFFC0] =	vst v7;
	v6 =	vld.idx.msk [tilespmem:v0+s21+$0x20 ss:$0x1], $0xffff;
	s21 =	smov.u32 s16  }
.LBB1_4:
0x32: {  	p0 =	sne.s32 s22, $0x600;
	v7 =	vld.idx.msk [tilespmem:v0+s20+$0x30 ss:$0x1], $0xffff;
	[tilespmem:s21+$0xFFFFFFD0] =	vst v5  }
0x33: {  	v8 =	vld.idx.msk [tilespmem:v0+s20+$0xFFFFFFC0 ss:$0x1], $0xffff;
	[tilespmem:s21+$0xFFFFFFE0] =	vst v4  }
0x34: {  	v5 =	vld.idx.msk [tilespmem:v0+s20+$0xFFFFFFD0 ss:$0x1], $0xffff;
	[tilespmem:s21+$0xFFFFFFF0] =	vst v3  }
.Ltmp3:
0x35: {  	v4 =	vld.idx.msk [tilespmem:v0+s20+$0xFFFFFFE0 ss:$0x1], $0xffff;
	[tilespmem:s21+$0x0] =	vst v1;
	(pc) =	sbr.rel @p0 .LBB1_4-.Ltmp3, $4  }
0x36: {  	v3 =	vld.idx.msk [tilespmem:v0+s20+$0xFFFFFFF0 ss:$0x1], $0xffff;
	[tilespmem:s21+$0x10] =	vst v2  }
0x37: {  	v1 =	vld.idx.msk [tilespmem:v0+s20+$0x0 ss:$0x1], $0xffff;
	[tilespmem:s21+$0x20] =	vst v6;
	s21 =	sadd.s32 $0x1000, s21  }
0x38: {  	v2 =	vld.idx.msk [tilespmem:v0+s20+$0x10 ss:$0x1], $0xffff;
	[tilespmem:s21+$0x30] =	vst v7  }
0x39: {  	[tilespmem:s21+$0xFFFFFFC0] =	vst v8;
	v6 =	vld.idx.msk [tilespmem:v0+s20+$0x20 ss:$0x1], $0xffff;
	s20 =	sshra.s32 s22, $0x2;
	s22 =	sadd.s32 $0x200, s22  }
0x3a: {  	_ =	sdelay $0x2  }
0x3b: {  	[tilespmem:s21+$0xFFFFFFD0] =	vst v5  }
0x3c: {  	v56 =	vld.idx.msk [tilespmem:v0+s20+$0x30 ss:$0x1], $0xffff;
	[tilespmem:s21+$0xFFFFFFE0] =	vst v4  }
0x3d: {  	v57 =	vld.idx.msk [tilespmem:v0+s20+$0xFFFFFFC0 ss:$0x1], $0xffff;
	[tilespmem:s21+$0xFFFFFFF0] =	vst v3  }
0x3e: {  	v58 =	vld.idx.msk [tilespmem:v0+s20+$0xFFFFFFD0 ss:$0x1], $0xffff;
	[tilespmem:s21+$0x0] =	vst v1  }
0x3f: {  	v59 =	vld.idx.msk [tilespmem:v0+s20+$0xFFFFFFE0 ss:$0x1], $0xffff;
	[tilespmem:s21+$0x10] =	vst v2  }
0x40: {  	v60 =	vld.idx.msk [tilespmem:v0+s20+$0xFFFFFFF0 ss:$0x1], $0xffff;
	s31 =	sadd.s32 $0x1000, s21;
	[tilespmem:s21+$0x20] =	vst v6  }
0x41: {  	v61 =	vld.idx.msk [tilespmem:v0+s20+$0x0 ss:$0x1], $0xffff;
	[tilespmem:s31+$0x30] =	vst v56  }
0x42: {  	v62 =	vld.idx.msk [tilespmem:v0+s20+$0x10 ss:$0x1], $0xffff;
	s19 =	sadd.s32 $0x1, s19;
	[tilespmem:s31+$0xFFFFFFC0] =	vst v57  }
0x43: {  	v63 =	vld.idx.msk [tilespmem:v0+s20+$0x20 ss:$0x1], $0xffff;
	p0 =	sne.s32 s19, $0x20;
	[tilespmem:s31+$0xFFFFFFD0] =	vst v58  }
.Ltmp4:
0x44: {  	[tilespmem:s31+$0xFFFFFFE0] =	vst v59;
	(pc) =	sbr.rel @p0 .LBB1_3-.Ltmp4, $4  }
0x45: {  	[tilespmem:s31+$0xFFFFFFF0] =	vst v60  }
0x46: {  	[tilespmem:s31+$0x0] =	vst v61  }
0x47: {  	[tilespmem:s31+$0x10] =	vst v62  }
0x48: {  	s16 =	sadd.s32 $0x80, s16;
	s18 =	sadd.s32 $0x200, s18;
	[tilespmem:s31+$0x20] =	vst v63  }
.Ltmp5:
0x49: {  	s15 =	sshll.u32 s15, $0x4;
	(pc) =	sbr.rel .LBB1_7-.Ltmp5, $4  }
0x4a: {  	s15 =	sand.u32 $0xFFF0, s15  }
0x4b: {  	s14 =	sshll.u32 s14, $0x10;
	s15 =	sadd.s32 s3, s15  }
0x4c: {  	s14 =	sadd.s32 s14, s15  }
0x4d: {  	[hbm4b:s14+s8] =	stream.strided.scatter [tilespmem:s17], [sflag:$0x2], $0x4000, s9, s8, $0x38;
	[tilespmem:$0x10000] =	vst v63  }
.LBB1_8:
0x4e: {  	_ =	sfence.sel $0x180000  }
0x4f: {  	s2 =	simm.s32 $0x1;
	[bflag:$0x0] =	sbarrier.arrive $0xFFFF  }
0x50: {  	s31 =	simm.s32 $0x2;
	[sflag:s2] =	ssyncpa.u1 $0x1  }
0x51: {  	[sflag:s31] =	ssyncpa.u1 $0x1  }
0x52: {  	p0 =	sne.s32 s0, $0x0;
	_ =	strace $0x9000004A  }
0x53: {  	s0 =	sadd.s32 @!p0 $0x100000, s1;
	[bflag:$0x2] =	sbarrier.arrive $0xFFFF  }
0x54: {  	[sflag:s0] =	ssyncadd.tile.s32 @!p0 $0x1;
	_ =	shalt  }
.Lfunc_end1:
_tile_overlayer_lowered:
.L_overlay_start_2:
0x55: {  	(tag) =	ssettag $0x2  }
0x56: {  	s0 =	rddreg [dreg:$0x0];
	s2 =	stileid.u32  }
0x57: {  	s1 =	rddreg [dreg:$0x1];
	p0 =	sne.s32 s2, $0x0  }
0x58: {  	s3 =	rddreg [dreg:$0x2];
	[bflag:$0x3] =	sbarrier.arrive $0xFFFF;
	s2 =	simm.s32 @!p0 $0x1C01  }
0x59: {  	[timem:s3], [sflag:s2] =	dma.local @!p0 [hbm:s0], s1  }
0x5a: {  	s0 =	simm.s32 @!p0 $0x1  }
0x5b: {  	_ =	swait.ge @!p0 [sflag:s0], s1  }
0x5c: {  	s1 =	ssub.s32 @!p0 $0x0, s1;
	[sflag:s0] =	ssyncset.done @!p0 $0x0  }
0x5d: {  	[sflag:s0] =	ssyncadd.s32 @!p0 s1  }
0x5e: {  	[bflag:$0x3] =	sbarrier.arrive $0xFFFF  }
0x5f: {  	_ =	shalt  }

</sc_bundles>
